<compile_context>
chip_gen: v7x
topology: tpu7x:2x2x1
jax: 0.10.2.dev20260603
libtpu: 0.0.44.dev20260713+nightly
codegen_flags: <defaults>
</compile_context>

<pallas_src>
import dataclasses
import functools

import jax
import jax.numpy as jnp
from jax import lax
from jax.experimental import pallas as pl
from jax.experimental.pallas import tpu as pltpu
from jax.experimental.pallas import tpu_sc as plsc

_B = 16384
_HIDDEN = 128
_ITEM_NUM = 100000
_MAX_SLIP = 0.4
_MAX_GUESS = 0.4
_T = 50.0

_NC = 2
_NS = 16
_NW = _NC * _NS
_B_PER_W = _B // _NW
_T_PER_W = 3200
_CHUNK = 400
_ROWS_PER_W = _T_PER_W * 2 // 128
_SLOT = 56
_SG_ROWS = _NW * _SLOT


def _sc_build_sg(slip_flat, guess_flat):
    mesh = plsc.VectorSubcoreMesh(core_axis_name="c", subcore_axis_name="s")

    @functools.partial(
        pl.kernel,
        out_type=jax.ShapeDtypeStruct((_SG_ROWS, 128), jnp.float32),
        mesh=mesh,
        scratch_types=[
            pltpu.VMEM((_T_PER_W,), jnp.float32),
            pltpu.VMEM((_T_PER_W,), jnp.float32),
            pltpu.VMEM((_SLOT, 128), jnp.float32),
        ],
        compiler_params=dataclasses.replace(
            pltpu.CompilerParams(), needs_layout_passes=False),
    )
    def build_kernel(slip_hbm, guess_hbm, sg_out, s_v, g_v, b_v):
        wid = lax.axis_index("s") * _NC + lax.axis_index("c")
        tbase = pl.multiple_of(wid * _T_PER_W, 8)
        pltpu.sync_copy(slip_hbm.at[pl.ds(tbase, _T_PER_W)], s_v)
        pltpu.sync_copy(guess_hbm.at[pl.ds(tbase, _T_PER_W)], g_v)
        i16 = lax.iota(jnp.int32, 16)

        @pl.loop(0, _T_PER_W // 16)
        def _(j):
            p0 = j * 32
            rows = (i16 * 0) + (p0 // 128)
            cols = (p0 % 128) + 2 * i16
            vs = s_v[pl.ds(j * 16, 16)]
            vg = g_v[pl.ds(j * 16, 16)]
            plsc.store_scatter(b_v, [rows, cols], vs)
            plsc.store_scatter(b_v, [rows, cols + 1], vg)

        obase = pl.multiple_of(wid * _SLOT, 8)
        pltpu.sync_copy(b_v, sg_out.at[pl.ds(obase, _SLOT), :])

    return build_kernel(slip_flat, guess_flat)


def _sc_gather(user, sg_row_idx, lane0, theta_table, sg_flat):
    mesh = plsc.VectorSubcoreMesh(core_axis_name="c", subcore_axis_name="s")

    @functools.partial(
        pl.kernel,
        out_type=(
            jax.ShapeDtypeStruct((_B, _HIDDEN), jnp.float32),
            jax.ShapeDtypeStruct((_B,), jnp.float32),
            jax.ShapeDtypeStruct((_B,), jnp.float32),
        ),
        mesh=mesh,
        scratch_types=[
            pltpu.VMEM((_B_PER_W,), jnp.int32),
            pltpu.VMEM((_B_PER_W, _HIDDEN), jnp.float32),
            pltpu.VMEM((_B_PER_W,), jnp.int32),
            pltpu.VMEM((_B_PER_W,), jnp.int32),
            pltpu.VMEM((_B_PER_W // 2, _HIDDEN), jnp.float32),
            pltpu.VMEM((_B_PER_W,), jnp.float32),
            pltpu.VMEM((_B_PER_W,), jnp.float32),
            pltpu.SemaphoreType.DMA,
            pltpu.SemaphoreType.DMA,
        ],
        compiler_params=dataclasses.replace(
            pltpu.CompilerParams(), needs_layout_passes=False),
    )
    def gather_kernel(user_hbm, sgi_hbm, lane_hbm, theta_hbm, sg_hbm,
                      theta_out, slip_out, guess_out,
                      uidx_v, rows_v, iidx_v, lane_v, sg_v, s_v, g_v,
                      sem_t, sem_s):
        wid = lax.axis_index("s") * _NC + lax.axis_index("c")
        base = wid * _B_PER_W
        pltpu.sync_copy(user_hbm.at[pl.ds(base, _B_PER_W)], uidx_v)
        pltpu.sync_copy(sgi_hbm.at[pl.ds(base, _B_PER_W)], iidx_v)
        pltpu.sync_copy(lane_hbm.at[pl.ds(base, _B_PER_W)], lane_v)
        cp_t = pltpu.async_copy(theta_hbm.at[uidx_v], rows_v, sem_t)
        half = _B_PER_W // 2
        i16 = lax.iota(jnp.int32, 16)

        @pl.loop(0, 2)
        def _(h):
            off = h * half
            cp_s = pltpu.async_copy(
                sg_hbm.at[iidx_v.at[pl.ds(off, half)]], sg_v, sem_s)
            cp_s.wait()

            @pl.loop(0, half // 16)
            def _(k):
                rows = k * 16 + i16
                cols = lane_v[pl.ds(off + k * 16, 16)]
                s_v[pl.ds(off + k * 16, 16)] = plsc.load_gather(
                    sg_v, [rows, cols])
                g_v[pl.ds(off + k * 16, 16)] = plsc.load_gather(
                    sg_v, [rows, cols + 1])

        pltpu.sync_copy(s_v, slip_out.at[pl.ds(base, _B_PER_W)])
        pltpu.sync_copy(g_v, guess_out.at[pl.ds(base, _B_PER_W)])
        cp_t.wait()
        pltpu.sync_copy(rows_v, theta_out.at[pl.ds(base, _B_PER_W)])

    return gather_kernel(user, sg_row_idx, lane0, theta_table, sg_flat)


def _score_block(theta_ref, kn_ref, s_ref, g_ref, out_ref):
    th = theta_ref[...]
    kn = kn_ref[...]
    rows = th.shape[0]
    prod = kn * (jax.nn.sigmoid(th) - 0.5)
    p3 = prod.reshape(rows // _HIDDEN, _HIDDEN, _HIDDEN)
    n = jnp.sum(jnp.swapaxes(p3, 1, 2), axis=1).reshape(rows)
    s = jax.nn.sigmoid(n * (1.0 / _T))
    slip = jax.nn.sigmoid(s_ref[...]) * _MAX_SLIP
    guess = jax.nn.sigmoid(g_ref[...]) * _MAX_GUESS
    out_ref[...] = (1.0 - slip) * s + guess * (1.0 - s)


def kernel(user, item, knowledge, theta_table, slip_table, guess_table):
    pad = _NW * _T_PER_W - _ITEM_NUM
    slip_flat = jnp.pad(slip_table.reshape(_ITEM_NUM), (0, pad))
    guess_flat = jnp.pad(guess_table.reshape(_ITEM_NUM), (0, pad))
    sg_flat = _sc_build_sg(slip_flat, guess_flat)

    w = item // _T_PER_W
    p = (item % _T_PER_W) * 2
    sg_row_idx = (w * _SLOT + p // 128).astype(jnp.int32)
    lane0 = (p % 128).astype(jnp.int32)

    theta_g, slip_g, guess_g = _sc_gather(
        user, sg_row_idx, lane0, theta_table, sg_flat)

    rows = 4096
    out = pl.pallas_call(
        _score_block,
        grid=(_B // rows,),
        in_specs=[
            pl.BlockSpec((rows, _HIDDEN), lambda i: (i, 0)),
            pl.BlockSpec((rows, _HIDDEN), lambda i: (i, 0)),
            pl.BlockSpec((rows,), lambda i: (i,)),
            pl.BlockSpec((rows,), lambda i: (i,)),
        ],
        out_specs=pl.BlockSpec((rows,), lambda i: (i,)),
        out_shape=jax.ShapeDtypeStruct((_B,), jnp.float32),
    )(theta_g, knowledge, slip_g, guess_g)
    return out

# --- scband reference (transcript-rebuilt; emitter-appended) ---
"""Pipeline reference for scband-dinanet-6124623364429 (READ-ONLY COPY).

The authoritative reference and input builder live on the scoring server;
editing this copy changes nothing except your own understanding.
"""

import jax, jax.numpy as jnp
import numpy as np

USER_NUM = 100000
ITEM_NUM = 100000
HIDDEN = 128
B = 16384
MAX_SLIP = 0.4
MAX_GUESS = 0.4


def setup_inputs(seed: int = 0) -> dict:
    key = jax.random.key(seed)
    k1, k2, k3, k4, k5, k6 = jax.random.split(key, 6)
    user = jax.random.randint(k1, (B,), 0, USER_NUM)
    item = jax.random.randint(k2, (B,), 0, ITEM_NUM)
    knowledge = jax.random.uniform(k3, (B, HIDDEN), dtype=jnp.float32)
    theta_table = jax.random.normal(k4, (USER_NUM, HIDDEN), dtype=jnp.float32)
    slip_table = jax.random.normal(k5, (ITEM_NUM, 1), dtype=jnp.float32)
    guess_table = jax.random.normal(k6, (ITEM_NUM, 1), dtype=jnp.float32)
    return {
        "user": user,
        "item": item,
        "knowledge": knowledge,
        "theta_table": theta_table,
        "slip_table": slip_table,
        "guess_table": guess_table,
    }


def reference(user, item, knowledge, theta_table, slip_table, guess_table):
    # Embedding lookups (gather)
    theta = jnp.take(theta_table, user, axis=0)            # [B, HIDDEN]
    slip = jnp.squeeze(jax.nn.sigmoid(jnp.take(slip_table, item, axis=0)) * MAX_SLIP)
    guess = jnp.squeeze(jax.nn.sigmoid(jnp.take(guess_table, item, axis=0)) * MAX_GUESS)
    # Training branch of DINANet.forward with step=0:
    # t = max((sin(2*pi*0/1000)+1)/2*100, 1e-6) = 50.0
    t = max((np.sin(2 * np.pi * 0 / 1000) + 1) / 2 * 100, 1e-06)
    n = jnp.sum(knowledge * (jax.nn.sigmoid(theta) - 0.5), axis=1)   # [B]
    coeff = jnp.stack([1.0 - slip, guess]).T                          # [B, 2]
    logits = jnp.stack([n, jnp.zeros_like(n)]).T / t                  # [B, 2]
    sm = jax.nn.softmax(logits, axis=-1)
    return jnp.sum(coeff * sm, axis=1)                                # [B]

if __name__ == "__main__":
    import jax
    _d = setup_inputs()
    print(jax.jit(kernel)(*tuple(_d.values())))

</pallas_src>

<mosaic_0001>
#map = affine_map<(d0, d1) -> (0)>
#map1 = affine_map<(d0, d1) -> (0, 0)>
module attributes {stable_mosaic.version = 14 : i64} {
  func.func @build_kernel(%arg0: i32, %arg1: i32, %arg2: memref<102400xf32, #tpu.memory_space<hbm>>, %arg3: memref<102400xf32, #tpu.memory_space<hbm>>, %arg4: memref<1792x128xf32, #tpu.memory_space<hbm>>, %arg5: memref<3200xf32, #tpu.memory_space<vmem>>, %arg6: memref<3200xf32, #tpu.memory_space<vmem>>, %arg7: memref<56x128xf32, #tpu.memory_space<vmem>>) attributes {dimension_semantics = [#tpu.dimension_semantics<core_parallel>, #tpu.dimension_semantics<subcore_parallel>], iteration_bounds = array<i64: 2, 16>, scalar_prefetch = 0 : i64, scratch_operands = 3 : i64, tpu.core_type = #tpu.core_type<sc_vector_subcore>, window_params = [{transform_indices = #map}, {transform_indices = #map}, {transform_indices = #map1}]} {
    %mul3A = arith.constant 2 : i32
    %mul3A_0 = arith.muli %arg1, %mul3A : i32
    %add3A = arith.addi %mul3A_0, %arg0 : i32
    %mul3A_1 = arith.constant 3200 : i32
    %mul3A_2 = arith.muli %add3A, %mul3A_1 : i32
    %multiple_of3A = tpu.assume_multiple %mul3A_2, 8 : i32
    "tpu.region"() ({
      %run_scoped3A = tpu.sem_alloc : memref<!tpu.dma_semaphore, #tpu.memory_space<semaphore_mem>>
      %dma_start3A = tpu.memref_slice %arg2[%multiple_of3A] : memref<102400xf32, #tpu.memory_space<hbm>> -> memref<3200xf32, #tpu.memory_space<hbm>>
      %dma_start3A_10 = tpu.memref_slice %arg2[%multiple_of3A] : memref<102400xf32, #tpu.memory_space<hbm>> -> memref<3200xf32, #tpu.memory_space<hbm>>
      tpu.enqueue_dma source(%dma_start3A_10 : memref<3200xf32, #tpu.memory_space<hbm>>) target(%arg5 : memref<3200xf32, #tpu.memory_space<vmem>>) target_semaphore(%run_scoped3A : memref<!tpu.dma_semaphore, #tpu.memory_space<semaphore_mem>>)
      %dma_wait3A = tpu.memref_slice %arg2[%multiple_of3A] : memref<102400xf32, #tpu.memory_space<hbm>> -> memref<3200xf32, #tpu.memory_space<hbm>>
      %dma_wait3A_11 = tpu.memref_slice %arg2[%multiple_of3A] : memref<102400xf32, #tpu.memory_space<hbm>> -> memref<3200xf32, #tpu.memory_space<hbm>>
      tpu.wait_dma2 semaphore(%run_scoped3A : memref<!tpu.dma_semaphore, #tpu.memory_space<semaphore_mem>>) src(%dma_wait3A_11 : memref<3200xf32, #tpu.memory_space<hbm>>) dst(%arg5 : memref<3200xf32, #tpu.memory_space<vmem>>)
      tpu.yield
    }) : () -> ()
    "tpu.region"() ({
      %run_scoped3A = tpu.sem_alloc : memref<!tpu.dma_semaphore, #tpu.memory_space<semaphore_mem>>
      %dma_start3A = tpu.memref_slice %arg3[%multiple_of3A] : memref<102400xf32, #tpu.memory_space<hbm>> -> memref<3200xf32, #tpu.memory_space<hbm>>
      %dma_start3A_10 = tpu.memref_slice %arg3[%multiple_of3A] : memref<102400xf32, #tpu.memory_space<hbm>> -> memref<3200xf32, #tpu.memory_space<hbm>>
      tpu.enqueue_dma source(%dma_start3A_10 : memref<3200xf32, #tpu.memory_space<hbm>>) target(%arg6 : memref<3200xf32, #tpu.memory_space<vmem>>) target_semaphore(%run_scoped3A : memref<!tpu.dma_semaphore, #tpu.memory_space<semaphore_mem>>)
      %dma_wait3A = tpu.memref_slice %arg3[%multiple_of3A] : memref<102400xf32, #tpu.memory_space<hbm>> -> memref<3200xf32, #tpu.memory_space<hbm>>
      %dma_wait3A_11 = tpu.memref_slice %arg3[%multiple_of3A] : memref<102400xf32, #tpu.memory_space<hbm>> -> memref<3200xf32, #tpu.memory_space<hbm>>
      tpu.wait_dma2 semaphore(%run_scoped3A : memref<!tpu.dma_semaphore, #tpu.memory_space<semaphore_mem>>) src(%dma_wait3A_11 : memref<3200xf32, #tpu.memory_space<hbm>>) dst(%arg6 : memref<3200xf32, #tpu.memory_space<vmem>>)
      tpu.yield
    }) : () -> ()
    %iota3A = tpu.iota {dimensions = array<i32: 0>} : vector<16xi32>
    %scan3A = arith.constant 0 : i32
    %scan3A_3 = arith.constant 200 : i32
    %scan3A_4 = arith.addi %scan3A, %scan3A_3 : i32
    %scan3A_5 = arith.constant 1 : i32
    scf.for %scan3A_10 = %scan3A to %scan3A_4 step %scan3A_5  : i32 {
      %mul3A_11 = arith.constant 1 : i32
      %mul3A_12 = arith.muli %scan3A_10, %mul3A_11 : i32
      %add3A_13 = arith.constant 0 : i32
      %add3A_14 = arith.addi %add3A_13, %mul3A_12 : i32
      %mul3A_15 = arith.constant 32 : i32
      %mul3A_16 = arith.muli %add3A_14, %mul3A_15 : i32
      %mul3A_17 = arith.constant 0 : i32
      %mul3A_18 = vector.broadcast %mul3A_17 : i32 to vector<16xi32>
      %mul3A_19 = arith.muli %iota3A, %mul3A_18 : vector<16xi32>
      %jit3A = arith.constant 128 : i32
      %div3A = arith.divsi %mul3A_16, %jit3A : i32
      %sign3A = arith.constant 0 : i32
      %sign3A_20 = arith.cmpi sgt, %mul3A_16, %sign3A : i32
      %sign3A_21 = arith.extui %sign3A_20 : i1 to i32
      %sign3A_22 = arith.constant 0 : i32
      %sign3A_23 = arith.cmpi slt, %mul3A_16, %sign3A_22 : i32
      %sign3A_24 = arith.extui %sign3A_23 : i1 to i32
      %sign3A_25 = arith.subi %sign3A_21, %sign3A_24 : i32
      %sign3A_26 = arith.constant 0 : i32
      %sign3A_27 = arith.cmpi sgt, %jit3A, %sign3A_26 : i32
      %sign3A_28 = arith.extui %sign3A_27 : i1 to i32
      %sign3A_29 = arith.constant 0 : i32
      %sign3A_30 = arith.cmpi slt, %jit3A, %sign3A_29 : i32
      %sign3A_31 = arith.extui %sign3A_30 : i1 to i32
      %sign3A_32 = arith.subi %sign3A_28, %sign3A_31 : i32
      %ne3A = arith.cmpi ne, %sign3A_25, %sign3A_32 : i32
      %rem3A = arith.remsi %mul3A_16, %jit3A : i32
      %ne3A_33 = arith.constant 0 : i32
      %ne3A_34 = arith.cmpi ne, %rem3A, %ne3A_33 : i32
      %and3A = arith.andi %ne3A, %ne3A_34 : i1
      %sub3A = arith.constant 1 : i32
      %sub3A_35 = arith.subi %div3A, %sub3A : i32
      %select_n3A = arith.select %and3A, %sub3A_35, %div3A : i32
      %add3A_36 = vector.broadcast %select_n3A : i32 to vector<16xi32>
      %add3A_37 = arith.addi %mul3A_19, %add3A_36 : vector<16xi32>
      %jit3A_38 = arith.constant 128 : i32
      %eq3A = arith.constant 0 : i32
      %eq3A_39 = arith.cmpi eq, %jit3A_38, %eq3A : i32
      %jit3A_40 = arith.constant 1 : i32
      %select_n3A_41 = arith.select %eq3A_39, %jit3A_40, %jit3A_38 : i32
      %rem3A_42 = arith.remsi %mul3A_16, %select_n3A_41 : i32
      %ne3A_43 = arith.constant 0 : i32
      %ne3A_44 = arith.cmpi ne, %rem3A_42, %ne3A_43 : i32
      %lt3A = arith.constant 0 : i32
      %lt3A_45 = arith.cmpi slt, %rem3A_42, %lt3A : i32
      %lt3A_46 = arith.constant 0 : i32
      %lt3A_47 = arith.cmpi slt, %select_n3A_41, %lt3A_46 : i32
      %ne3A_48 = arith.xori %lt3A_45, %lt3A_47 : i1
      %and3A_49 = arith.andi %ne3A_48, %ne3A_44 : i1
      %add3A_50 = arith.addi %rem3A_42, %select_n3A_41 : i32
      %select_n3A_51 = arith.select %and3A_49, %add3A_50, %rem3A_42 : i32
      %mul3A_52 = arith.constant 2 : i32
      %mul3A_53 = vector.broadcast %mul3A_52 : i32 to vector<16xi32>
      %mul3A_54 = arith.muli %mul3A_53, %iota3A : vector<16xi32>
      %add3A_55 = vector.broadcast %select_n3A_51 : i32 to vector<16xi32>
      %add3A_56 = arith.addi %add3A_55, %mul3A_54 : vector<16xi32>
      %mul3A_57 = arith.constant 16 : i32
      %mul3A_58 = arith.muli %add3A_14, %mul3A_57 : i32
      %get3A = arith.index_cast %mul3A_58 : i32 to index
      %get3A_59 = tpu.vector_load %arg5[%get3A] {strides = array<i32>} : memref<3200xf32, #tpu.memory_space<vmem>>, vector<16xf32>,
      %mul3A_60 = arith.constant 16 : i32
      %mul3A_61 = arith.muli %add3A_14, %mul3A_60 : i32
      %get3A_62 = arith.index_cast %mul3A_61 : i32 to index
      %get3A_63 = tpu.vector_load %arg6[%get3A_62] {strides = array<i32>} : memref<3200xf32, #tpu.memory_space<vmem>>, vector<16xf32>,
      tpu.vector_store_idx %arg7[%add3A_37, %add3A_56], %get3A_59 : memref<56x128xf32, #tpu.memory_space<vmem>>[vector<16xi32>, vector<16xi32>], vector<16xf32>,
      %add3A_64 = arith.constant 1 : i32
      %add3A_65 = vector.broadcast %add3A_64 : i32 to vector<16xi32>
      %add3A_66 = arith.addi %add3A_56, %add3A_65 : vector<16xi32>
      tpu.vector_store_idx %arg7[%add3A_37, %add3A_66], %get3A_63 : memref<56x128xf32, #tpu.memory_space<vmem>>[vector<16xi32>, vector<16xi32>], vector<16xf32>,
    }
    %scan3A_6 = arith.constant 200 : i32
    %mul3A_7 = arith.constant 56 : i32
    %mul3A_8 = arith.muli %add3A, %mul3A_7 : i32
    %multiple_of3A_9 = tpu.assume_multiple %mul3A_8, 8 : i32
    "tpu.region"() ({
      %run_scoped3A = tpu.sem_alloc : memref<!tpu.dma_semaphore, #tpu.memory_space<semaphore_mem>>
      %dma_start3A = arith.constant 0 : i32
      %dma_start3A_10 = tpu.memref_slice %arg4[%multiple_of3A_9, %dma_start3A] : memref<1792x128xf32, #tpu.memory_space<hbm>> -> memref<56x128xf32, #tpu.memory_space<hbm>>
      %dma_start3A_11 = arith.constant 0 : i32
      %dma_start3A_12 = tpu.memref_slice %arg4[%multiple_of3A_9, %dma_start3A_11] : memref<1792x128xf32, #tpu.memory_space<hbm>> -> memref<56x128xf32, #tpu.memory_space<hbm>>
      tpu.enqueue_dma source(%arg7 : memref<56x128xf32, #tpu.memory_space<vmem>>) target(%dma_start3A_12 : memref<56x128xf32, #tpu.memory_space<hbm>>) target_semaphore(%run_scoped3A : memref<!tpu.dma_semaphore, #tpu.memory_space<semaphore_mem>>)
      %dma_wait3A = arith.constant 0 : i32
      %dma_wait3A_13 = tpu.memref_slice %arg4[%multiple_of3A_9, %dma_wait3A] : memref<1792x128xf32, #tpu.memory_space<hbm>> -> memref<56x128xf32, #tpu.memory_space<hbm>>
      %dma_wait3A_14 = arith.constant 0 : i32
      %dma_wait3A_15 = tpu.memref_slice %arg4[%multiple_of3A_9, %dma_wait3A_14] : memref<1792x128xf32, #tpu.memory_space<hbm>> -> memref<56x128xf32, #tpu.memory_space<hbm>>
      tpu.wait_dma2 semaphore(%run_scoped3A : memref<!tpu.dma_semaphore, #tpu.memory_space<semaphore_mem>>) src(%arg7 : memref<56x128xf32, #tpu.memory_space<vmem>>) dst(%dma_wait3A_15 : memref<56x128xf32, #tpu.memory_space<hbm>>)
      tpu.yield
    }) : () -> ()
    return
  }
}

#map = affine_map<(d0, d1) -> (0)>
#map1 = affine_map<(d0, d1) -> (0, 0)>
module attributes {stable_mosaic.version = 14 : i64} {
  func.func @gather_kernel(%arg0: i32, %arg1: i32, %arg2: memref<16384xi32, #tpu.memory_space<hbm>>, %arg3: memref<16384xi32, #tpu.memory_space<hbm>>, %arg4: memref<16384xi32, #tpu.memory_space<hbm>>, %arg5: memref<100000x128xf32, #tpu.memory_space<hbm>>, %arg6: memref<1792x128xf32, #tpu.memory_space<hbm>>, %arg7: memref<16384x128xf32, #tpu.memory_space<hbm>>, %arg8: memref<16384xf32, #tpu.memory_space<hbm>>, %arg9: memref<16384xf32, #tpu.memory_space<hbm>>, %arg10: memref<512xi32, #tpu.memory_space<vmem>>, %arg11: memref<512x128xf32, #tpu.memory_space<vmem>>, %arg12: memref<512xi32, #tpu.memory_space<vmem>>, %arg13: memref<512xi32, #tpu.memory_space<vmem>>, %arg14: memref<256x128xf32, #tpu.memory_space<vmem>>, %arg15: memref<512xf32, #tpu.memory_space<vmem>>, %arg16: memref<512xf32, #tpu.memory_space<vmem>>, %arg17: memref<!tpu.dma_semaphore, #tpu.memory_space<semaphore_mem>>, %arg18: memref<!tpu.dma_semaphore, #tpu.memory_space<semaphore_mem>>) attributes {dimension_semantics = [#tpu.dimension_semantics<core_parallel>, #tpu.dimension_semantics<subcore_parallel>], iteration_bounds = array<i64: 2, 16>, scalar_prefetch = 0 : i64, scratch_operands = 9 : i64, tpu.core_type = #tpu.core_type<sc_vector_subcore>, window_params = [{transform_indices = #map}, {transform_indices = #map}, {transform_indices = #map}, {transform_indices = #map1}, {transform_indices = #map1}, {transform_indices = #map1}, {transform_indices = #map}, {transform_indices = #map}]} {
    %mul3A = arith.constant 2 : i32
    %mul3A_0 = arith.muli %arg1, %mul3A : i32
    %add3A = arith.addi %mul3A_0, %arg0 : i32
    %mul3A_1 = arith.constant 512 : i32
    %mul3A_2 = arith.muli %add3A, %mul3A_1 : i32
    "tpu.region"() ({
      %run_scoped3A = tpu.sem_alloc : memref<!tpu.dma_semaphore, #tpu.memory_space<semaphore_mem>>
      %dma_start3A_11 = tpu.memref_slice %arg2[%mul3A_2] : memref<16384xi32, #tpu.memory_space<hbm>> -> memref<512xi32, #tpu.memory_space<hbm>>
      %dma_start3A_12 = tpu.memref_slice %arg2[%mul3A_2] : memref<16384xi32, #tpu.memory_space<hbm>> -> memref<512xi32, #tpu.memory_space<hbm>>
      tpu.enqueue_dma source(%dma_start3A_12 : memref<512xi32, #tpu.memory_space<hbm>>) target(%arg10 : memref<512xi32, #tpu.memory_space<vmem>>) target_semaphore(%run_scoped3A : memref<!tpu.dma_semaphore, #tpu.memory_space<semaphore_mem>>)
      %dma_wait3A_13 = tpu.memref_slice %arg2[%mul3A_2] : memref<16384xi32, #tpu.memory_space<hbm>> -> memref<512xi32, #tpu.memory_space<hbm>>
      %dma_wait3A_14 = tpu.memref_slice %arg2[%mul3A_2] : memref<16384xi32, #tpu.memory_space<hbm>> -> memref<512xi32, #tpu.memory_space<hbm>>
      tpu.wait_dma2 semaphore(%run_scoped3A : memref<!tpu.dma_semaphore, #tpu.memory_space<semaphore_mem>>) src(%dma_wait3A_14 : memref<512xi32, #tpu.memory_space<hbm>>) dst(%arg10 : memref<512xi32, #tpu.memory_space<vmem>>)
      tpu.yield
    }) : () -> ()
    "tpu.region"() ({
      %run_scoped3A = tpu.sem_alloc : memref<!tpu.dma_semaphore, #tpu.memory_space<semaphore_mem>>
      %dma_start3A_11 = tpu.memref_slice %arg3[%mul3A_2] : memref<16384xi32, #tpu.memory_space<hbm>> -> memref<512xi32, #tpu.memory_space<hbm>>
      %dma_start3A_12 = tpu.memref_slice %arg3[%mul3A_2] : memref<16384xi32, #tpu.memory_space<hbm>> -> memref<512xi32, #tpu.memory_space<hbm>>
      tpu.enqueue_dma source(%dma_start3A_12 : memref<512xi32, #tpu.memory_space<hbm>>) target(%arg12 : memref<512xi32, #tpu.memory_space<vmem>>) target_semaphore(%run_scoped3A : memref<!tpu.dma_semaphore, #tpu.memory_space<semaphore_mem>>)
      %dma_wait3A_13 = tpu.memref_slice %arg3[%mul3A_2] : memref<16384xi32, #tpu.memory_space<hbm>> -> memref<512xi32, #tpu.memory_space<hbm>>
      %dma_wait3A_14 = tpu.memref_slice %arg3[%mul3A_2] : memref<16384xi32, #tpu.memory_space<hbm>> -> memref<512xi32, #tpu.memory_space<hbm>>
      tpu.wait_dma2 semaphore(%run_scoped3A : memref<!tpu.dma_semaphore, #tpu.memory_space<semaphore_mem>>) src(%dma_wait3A_14 : memref<512xi32, #tpu.memory_space<hbm>>) dst(%arg12 : memref<512xi32, #tpu.memory_space<vmem>>)
      tpu.yield
    }) : () -> ()
    "tpu.region"() ({
      %run_scoped3A = tpu.sem_alloc : memref<!tpu.dma_semaphore, #tpu.memory_space<semaphore_mem>>
      %dma_start3A_11 = tpu.memref_slice %arg4[%mul3A_2] : memref<16384xi32, #tpu.memory_space<hbm>> -> memref<512xi32, #tpu.memory_space<hbm>>
      %dma_start3A_12 = tpu.memref_slice %arg4[%mul3A_2] : memref<16384xi32, #tpu.memory_space<hbm>> -> memref<512xi32, #tpu.memory_space<hbm>>
      tpu.enqueue_dma source(%dma_start3A_12 : memref<512xi32, #tpu.memory_space<hbm>>) target(%arg13 : memref<512xi32, #tpu.memory_space<vmem>>) target_semaphore(%run_scoped3A : memref<!tpu.dma_semaphore, #tpu.memory_space<semaphore_mem>>)
      %dma_wait3A_13 = tpu.memref_slice %arg4[%mul3A_2] : memref<16384xi32, #tpu.memory_space<hbm>> -> memref<512xi32, #tpu.memory_space<hbm>>
      %dma_wait3A_14 = tpu.memref_slice %arg4[%mul3A_2] : memref<16384xi32, #tpu.memory_space<hbm>> -> memref<512xi32, #tpu.memory_space<hbm>>
      tpu.wait_dma2 semaphore(%run_scoped3A : memref<!tpu.dma_semaphore, #tpu.memory_space<semaphore_mem>>) src(%dma_wait3A_14 : memref<512xi32, #tpu.memory_space<hbm>>) dst(%arg13 : memref<512xi32, #tpu.memory_space<vmem>>)
      tpu.yield
    }) : () -> ()
    %dma_start3A = arith.constant 0 : i32
    %dma_start3A_3 = arith.constant 0 : i32
    %dma_start3A_4 = tpu.memref_slice %arg5[%dma_start3A, %dma_start3A_3] : memref<100000x128xf32, #tpu.memory_space<hbm>> -> memref<100000x128xf32, #tpu.memory_space<hbm>>
    tpu.enqueue_indirect_dma source(%dma_start3A_4 : memref<100000x128xf32, #tpu.memory_space<hbm>>) target(%arg11 : memref<512x128xf32, #tpu.memory_space<vmem>>) offsets(%arg10 : memref<512xi32, #tpu.memory_space<vmem>>) semaphore(%arg17 : memref<!tpu.dma_semaphore, #tpu.memory_space<semaphore_mem>>)
    %iota3A = tpu.iota {dimensions = array<i32: 0>} : vector<16xi32>
    %scan3A = arith.constant 0 : i32
    %scan3A_5 = arith.constant 2 : i32
    %scan3A_6 = arith.addi %scan3A, %scan3A_5 : i32
    %scan3A_7 = arith.constant 1 : i32
    scf.for %scan3A_11 = %scan3A to %scan3A_6 step %scan3A_7  : i32 {
      %mul3A_12 = arith.constant 1 : i32
      %mul3A_13 = arith.muli %scan3A_11, %mul3A_12 : i32
      %add3A_14 = arith.constant 0 : i32
      %add3A_15 = arith.addi %add3A_14, %mul3A_13 : i32
      %mul3A_16 = arith.constant 256 : i32
      %mul3A_17 = arith.muli %add3A_15, %mul3A_16 : i32
      %dma_start3A_18 = tpu.memref_slice %arg12[%mul3A_17] : memref<512xi32, #tpu.memory_space<vmem>> -> memref<256xi32, #tpu.memory_space<vmem>>
      %dma_start3A_19 = arith.constant 0 : i32
      %dma_start3A_20 = arith.constant 0 : i32
      %dma_start3A_21 = tpu.memref_slice %arg6[%dma_start3A_19, %dma_start3A_20] : memref<1792x128xf32, #tpu.memory_space<hbm>> -> memref<1792x128xf32, #tpu.memory_space<hbm>>
      tpu.enqueue_indirect_dma source(%dma_start3A_21 : memref<1792x128xf32, #tpu.memory_space<hbm>>) target(%arg14 : memref<256x128xf32, #tpu.memory_space<vmem>>) offsets(%dma_start3A_18 : memref<256xi32, #tpu.memory_space<vmem>>) semaphore(%arg18 : memref<!tpu.dma_semaphore, #tpu.memory_space<semaphore_mem>>)
      %dma_wait3A_22 = tpu.memref_slice %arg12[%mul3A_17] : memref<512xi32, #tpu.memory_space<vmem>> -> memref<256xi32, #tpu.memory_space<vmem>>
      %dma_wait3A_23 = arith.constant 0 : i32
      %dma_wait3A_24 = arith.constant 0 : i32
      %dma_wait3A_25 = tpu.memref_slice %arg6[%dma_wait3A_23, %dma_wait3A_24] : memref<1792x128xf32, #tpu.memory_space<hbm>> -> memref<1792x128xf32, #tpu.memory_space<hbm>>
      tpu.wait_indirect_dma semaphore(%arg18 : memref<!tpu.dma_semaphore, #tpu.memory_space<semaphore_mem>>) src(%dma_wait3A_25 : memref<1792x128xf32, #tpu.memory_space<hbm>>) dst(%arg14 : memref<256x128xf32, #tpu.memory_space<vmem>>)
      %scan3A_26 = arith.constant 0 : i32
      %scan3A_27 = arith.constant 16 : i32
      %scan3A_28 = arith.addi %scan3A_26, %scan3A_27 : i32
      %scan3A_29 = arith.constant 1 : i32
      scf.for %scan3A_31 = %scan3A_26 to %scan3A_28 step %scan3A_29  : i32 {
        %mul3A_32 = arith.constant 1 : i32
        %mul3A_33 = arith.muli %scan3A_31, %mul3A_32 : i32
        %add3A_34 = arith.constant 0 : i32
        %add3A_35 = arith.addi %add3A_34, %mul3A_33 : i32
        %mul3A_36 = arith.constant 16 : i32
        %mul3A_37 = arith.muli %add3A_35, %mul3A_36 : i32
        %add3A_38 = vector.broadcast %mul3A_37 : i32 to vector<16xi32>
        %add3A_39 = arith.addi %add3A_38, %iota3A : vector<16xi32>
        %mul3A_40 = arith.constant 16 : i32
        %mul3A_41 = arith.muli %add3A_35, %mul3A_40 : i32
        %add3A_42 = arith.addi %mul3A_17, %mul3A_41 : i32
        %get3A = arith.index_cast %add3A_42 : i32 to index
        %get3A_43 = tpu.vector_load %arg13[%get3A] {strides = array<i32>} : memref<512xi32, #tpu.memory_space<vmem>>, vector<16xi32>,
        %gather3A = tpu.vector_load_idx %arg14[%add3A_39, %get3A_43] : memref<256x128xf32, #tpu.memory_space<vmem>>[vector<16xi32>, vector<16xi32>], vector<16xf32>,
        %mul3A_44 = arith.constant 16 : i32
        %mul3A_45 = arith.muli %add3A_35, %mul3A_44 : i32
        %add3A_46 = arith.addi %mul3A_17, %mul3A_45 : i32
        %swap3A = arith.index_cast %add3A_46 : i32 to index
        %swap3A_47 = tpu.vector_load %arg15[%swap3A] {strides = array<i32>} : memref<512xf32, #tpu.memory_space<vmem>>, vector<16xf32>,
        tpu.vector_store %arg15[%swap3A], %gather3A {strides = array<i32>} : memref<512xf32, #tpu.memory_space<vmem>>, vector<16xf32>,
        %add3A_48 = arith.constant 1 : i32
        %add3A_49 = vector.broadcast %add3A_48 : i32 to vector<16xi32>
        %add3A_50 = arith.addi %get3A_43, %add3A_49 : vector<16xi32>
        %gather3A_51 = tpu.vector_load_idx %arg14[%add3A_39, %add3A_50] : memref<256x128xf32, #tpu.memory_space<vmem>>[vector<16xi32>, vector<16xi32>], vector<16xf32>,
        %mul3A_52 = arith.constant 16 : i32
        %mul3A_53 = arith.muli %add3A_35, %mul3A_52 : i32
        %add3A_54 = arith.addi %mul3A_17, %mul3A_53 : i32
        %swap3A_55 = arith.index_cast %add3A_54 : i32 to index
        %swap3A_56 = tpu.vector_load %arg16[%swap3A_55] {strides = array<i32>} : memref<512xf32, #tpu.memory_space<vmem>>, vector<16xf32>,
        tpu.vector_store %arg16[%swap3A_55], %gather3A_51 {strides = array<i32>} : memref<512xf32, #tpu.memory_space<vmem>>, vector<16xf32>,
      }
      %scan3A_30 = arith.constant 16 : i32
    }
    %scan3A_8 = arith.constant 2 : i32
    "tpu.region"() ({
      %run_scoped3A = tpu.sem_alloc : memref<!tpu.dma_semaphore, #tpu.memory_space<semaphore_mem>>
      %dma_start3A_11 = tpu.memref_slice %arg8[%mul3A_2] : memref<16384xf32, #tpu.memory_space<hbm>> -> memref<512xf32, #tpu.memory_space<hbm>>
      %dma_start3A_12 = tpu.memref_slice %arg8[%mul3A_2] : memref<16384xf32, #tpu.memory_space<hbm>> -> memref<512xf32, #tpu.memory_space<hbm>>
      tpu.enqueue_dma source(%arg15 : memref<512xf32, #tpu.memory_space<vmem>>) target(%dma_start3A_12 : memref<512xf32, #tpu.memory_space<hbm>>) target_semaphore(%run_scoped3A : memref<!tpu.dma_semaphore, #tpu.memory_space<semaphore_mem>>)
      %dma_wait3A_13 = tpu.memref_slice %arg8[%mul3A_2] : memref<16384xf32, #tpu.memory_space<hbm>> -> memref<512xf32, #tpu.memory_space<hbm>>
      %dma_wait3A_14 = tpu.memref_slice %arg8[%mul3A_2] : memref<16384xf32, #tpu.memory_space<hbm>> -> memref<512xf32, #tpu.memory_space<hbm>>
      tpu.wait_dma2 semaphore(%run_scoped3A : memref<!tpu.dma_semaphore, #tpu.memory_space<semaphore_mem>>) src(%arg15 : memref<512xf32, #tpu.memory_space<vmem>>) dst(%dma_wait3A_14 : memref<512xf32, #tpu.memory_space<hbm>>)
      tpu.yield
    }) : () -> ()
    "tpu.region"() ({
      %run_scoped3A = tpu.sem_alloc : memref<!tpu.dma_semaphore, #tpu.memory_space<semaphore_mem>>
      %dma_start3A_11 = tpu.memref_slice %arg9[%mul3A_2] : memref<16384xf32, #tpu.memory_space<hbm>> -> memref<512xf32, #tpu.memory_space<hbm>>
      %dma_start3A_12 = tpu.memref_slice %arg9[%mul3A_2] : memref<16384xf32, #tpu.memory_space<hbm>> -> memref<512xf32, #tpu.memory_space<hbm>>
      tpu.enqueue_dma source(%arg16 : memref<512xf32, #tpu.memory_space<vmem>>) target(%dma_start3A_12 : memref<512xf32, #tpu.memory_space<hbm>>) target_semaphore(%run_scoped3A : memref<!tpu.dma_semaphore, #tpu.memory_space<semaphore_mem>>)
      %dma_wait3A_13 = tpu.memref_slice %arg9[%mul3A_2] : memref<16384xf32, #tpu.memory_space<hbm>> -> memref<512xf32, #tpu.memory_space<hbm>>
      %dma_wait3A_14 = tpu.memref_slice %arg9[%mul3A_2] : memref<16384xf32, #tpu.memory_space<hbm>> -> memref<512xf32, #tpu.memory_space<hbm>>
      tpu.wait_dma2 semaphore(%run_scoped3A : memref<!tpu.dma_semaphore, #tpu.memory_space<semaphore_mem>>) src(%arg16 : memref<512xf32, #tpu.memory_space<vmem>>) dst(%dma_wait3A_14 : memref<512xf32, #tpu.memory_space<hbm>>)
      tpu.yield
    }) : () -> ()
    %dma_wait3A = arith.constant 0 : i32
    %dma_wait3A_9 = arith.constant 0 : i32
    %dma_wait3A_10 = tpu.memref_slice %arg5[%dma_wait3A, %dma_wait3A_9] : memref<100000x128xf32, #tpu.memory_space<hbm>> -> memref<100000x128xf32, #tpu.memory_space<hbm>>
    tpu.wait_indirect_dma semaphore(%arg17 : memref<!tpu.dma_semaphore, #tpu.memory_space<semaphore_mem>>) src(%dma_wait3A_10 : memref<100000x128xf32, #tpu.memory_space<hbm>>) dst(%arg11 : memref<512x128xf32, #tpu.memory_space<vmem>>)
    "tpu.region"() ({
      %run_scoped3A = tpu.sem_alloc : memref<!tpu.dma_semaphore, #tpu.memory_space<semaphore_mem>>
      %dma_start3A_11 = arith.constant 0 : i32
      %dma_start3A_12 = tpu.memref_slice %arg7[%mul3A_2, %dma_start3A_11] : memref<16384x128xf32, #tpu.memory_space<hbm>> -> memref<512x128xf32, #tpu.memory_space<hbm>>
      %dma_start3A_13 = arith.constant 0 : i32
      %dma_start3A_14 = tpu.memref_slice %arg7[%mul3A_2, %dma_start3A_13] : memref<16384x128xf32, #tpu.memory_space<hbm>> -> memref<512x128xf32, #tpu.memory_space<hbm>>
      tpu.enqueue_dma source(%arg11 : memref<512x128xf32, #tpu.memory_space<vmem>>) target(%dma_start3A_14 : memref<512x128xf32, #tpu.memory_space<hbm>>) target_semaphore(%run_scoped3A : memref<!tpu.dma_semaphore, #tpu.memory_space<semaphore_mem>>)
      %dma_wait3A_15 = arith.constant 0 : i32
      %dma_wait3A_16 = tpu.memref_slice %arg7[%mul3A_2, %dma_wait3A_15] : memref<16384x128xf32, #tpu.memory_space<hbm>> -> memref<512x128xf32, #tpu.memory_space<hbm>>
      %dma_wait3A_17 = arith.constant 0 : i32
      %dma_wait3A_18 = tpu.memref_slice %arg7[%mul3A_2, %dma_wait3A_17] : memref<16384x128xf32, #tpu.memory_space<hbm>> -> memref<512x128xf32, #tpu.memory_space<hbm>>
      tpu.wait_dma2 semaphore(%run_scoped3A : memref<!tpu.dma_semaphore, #tpu.memory_space<semaphore_mem>>) src(%arg11 : memref<512x128xf32, #tpu.memory_space<vmem>>) dst(%dma_wait3A_18 : memref<512x128xf32, #tpu.memory_space<hbm>>)
      tpu.yield
    }) : () -> ()
    return
  }
}

module attributes {stable_mosaic.version = 14 : i64} {
  func.func @_score_block(%arg0: i32, %arg1: memref<4096x128xf32, #tpu.memory_space<vmem>>, %arg2: memref<4096x128xf32, #tpu.memory_space<vmem>>, %arg3: memref<4096xf32, #tpu.memory_space<vmem>>, %arg4: memref<4096xf32, #tpu.memory_space<vmem>>, %arg5: memref<4096xf32, #tpu.memory_space<vmem>>) attributes {dimension_semantics = [#tpu.dimension_semantics<arbitrary>], iteration_bounds = array<i64: 4>, scalar_prefetch = 0 : i64, scratch_operands = 0 : i64, tpu.core_type = #tpu.core_type<tc>, window_params = [{transform_indices = @transform_0, window_bounds = array<i64: 4096, 128>}, {transform_indices = @transform_1, window_bounds = array<i64: 4096, 128>}, {transform_indices = @transform_2, window_bounds = array<i64: 4096>}, {transform_indices = @transform_3, window_bounds = array<i64: 4096>}, {transform_indices = @transform_4, window_bounds = array<i64: 4096>}]} {
    %get3A = arith.constant 0 : index
    %get3A_0 = arith.constant 0 : index
    %get3A_1 = vector.load %arg1[%get3A, %get3A_0] : memref<4096x128xf32, #tpu.memory_space<vmem>>, vector<4096x128xf32>
    %get3A_2 = arith.constant 0 : index
    %get3A_3 = arith.constant 0 : index
    %get3A_4 = vector.load %arg2[%get3A_2, %get3A_3] : memref<4096x128xf32, #tpu.memory_space<vmem>>, vector<4096x128xf32>
    %logistic3A = arith.negf %get3A_1 : vector<4096x128xf32>
    %logistic3A_5 = math.exp %logistic3A : vector<4096x128xf32>
    %logistic3A_6 = arith.constant 1.000000e+00 : f32
    %logistic3A_7 = vector.broadcast %logistic3A_6 : f32 to vector<4096x128xf32>
    %logistic3A_8 = arith.addf %logistic3A_7, %logistic3A_5 : vector<4096x128xf32>
    %logistic3A_9 = arith.divf %logistic3A_7, %logistic3A_8 : vector<4096x128xf32>
    %sub3A = arith.constant 5.000000e-01 : f32
    %sub3A_10 = vector.broadcast %sub3A : f32 to vector<4096x128xf32>
    %sub3A_11 = arith.subf %logistic3A_9, %sub3A_10 : vector<4096x128xf32>
    %mul3A = arith.mulf %get3A_4, %sub3A_11 : vector<4096x128xf32>
    %reshape3A = vector.shape_cast %mul3A : vector<4096x128xf32> to vector<32x128x128xf32>
    %transpose3A = tpu.transpose %reshape3A, [0, 2, 1] : vector<32x128x128xf32> -> vector<32x128x128xf32>
    %reduce_sum3A = arith.constant dense<0.000000e+00> : vector<32x128xf32>
    %reduce_sum3A_12 = vector.multi_reduction <add>, %transpose3A, %reduce_sum3A [1] : vector<32x128x128xf32> to vector<32x128xf32>
    %reshape3A_13 = vector.shape_cast %reduce_sum3A_12 : vector<32x128xf32> to vector<4096xf32>
    %mul3A_14 = arith.constant 2.000000e-02 : f32
    %mul3A_15 = vector.broadcast %mul3A_14 : f32 to vector<4096xf32>
    %mul3A_16 = arith.mulf %reshape3A_13, %mul3A_15 : vector<4096xf32>
    %logistic3A_17 = arith.negf %mul3A_16 : vector<4096xf32>
    %logistic3A_18 = math.exp %logistic3A_17 : vector<4096xf32>
    %logistic3A_19 = arith.constant 1.000000e+00 : f32
    %logistic3A_20 = vector.broadcast %logistic3A_19 : f32 to vector<4096xf32>
    %logistic3A_21 = arith.addf %logistic3A_20, %logistic3A_18 : vector<4096xf32>
    %logistic3A_22 = arith.divf %logistic3A_20, %logistic3A_21 : vector<4096xf32>
    %get3A_23 = arith.constant 0 : index
    %get3A_24 = vector.load %arg3[%get3A_23] : memref<4096xf32, #tpu.memory_space<vmem>>, vector<4096xf32>
    %logistic3A_25 = arith.negf %get3A_24 : vector<4096xf32>
    %logistic3A_26 = math.exp %logistic3A_25 : vector<4096xf32>
    %logistic3A_27 = arith.constant 1.000000e+00 : f32
    %logistic3A_28 = vector.broadcast %logistic3A_27 : f32 to vector<4096xf32>
    %logistic3A_29 = arith.addf %logistic3A_28, %logistic3A_26 : vector<4096xf32>
    %logistic3A_30 = arith.divf %logistic3A_28, %logistic3A_29 : vector<4096xf32>
    %mul3A_31 = arith.constant 4.000000e-01 : f32
    %mul3A_32 = vector.broadcast %mul3A_31 : f32 to vector<4096xf32>
    %mul3A_33 = arith.mulf %logistic3A_30, %mul3A_32 : vector<4096xf32>
    %get3A_34 = arith.constant 0 : index
    %get3A_35 = vector.load %arg4[%get3A_34] : memref<4096xf32, #tpu.memory_space<vmem>>, vector<4096xf32>
    %logistic3A_36 = arith.negf %get3A_35 : vector<4096xf32>
    %logistic3A_37 = math.exp %logistic3A_36 : vector<4096xf32>
    %logistic3A_38 = arith.constant 1.000000e+00 : f32
    %logistic3A_39 = vector.broadcast %logistic3A_38 : f32 to vector<4096xf32>
    %logistic3A_40 = arith.addf %logistic3A_39, %logistic3A_37 : vector<4096xf32>
    %logistic3A_41 = arith.divf %logistic3A_39, %logistic3A_40 : vector<4096xf32>
    %mul3A_42 = arith.constant 4.000000e-01 : f32
    %mul3A_43 = vector.broadcast %mul3A_42 : f32 to vector<4096xf32>
    %mul3A_44 = arith.mulf %logistic3A_41, %mul3A_43 : vector<4096xf32>
    %sub3A_45 = arith.constant 1.000000e+00 : f32
    %sub3A_46 = vector.broadcast %sub3A_45 : f32 to vector<4096xf32>
    %sub3A_47 = arith.subf %sub3A_46, %mul3A_33 : vector<4096xf32>
    %mul3A_48 = arith.mulf %sub3A_47, %logistic3A_22 : vector<4096xf32>
    %sub3A_49 = arith.constant 1.000000e+00 : f32
    %sub3A_50 = vector.broadcast %sub3A_49 : f32 to vector<4096xf32>
    %sub3A_51 = arith.subf %sub3A_50, %logistic3A_22 : vector<4096xf32>
    %mul3A_52 = arith.mulf %mul3A_44, %sub3A_51 : vector<4096xf32>
    %add3A = arith.addf %mul3A_48, %mul3A_52 : vector<4096xf32>
    %swap3A = arith.constant 0 : index
    %swap3A_53 = vector.load %arg5[%swap3A] : memref<4096xf32, #tpu.memory_space<vmem>>, vector<4096xf32>
    tpu.vector_store %arg5[%swap3A], %add3A {strides = array<i32>} : memref<4096xf32, #tpu.memory_space<vmem>>, vector<4096xf32>,
    return
  }
  func.func @transform_0(%arg0: i32) -> (i32, i32) {
    %c0_i32 = arith.constant 0 : i32
    %c0_i32_0 = arith.constant 0 : i32
    return %arg0, %c0_i32 : i32, i32
  }
  func.func @transform_1(%arg0: i32) -> (i32, i32) {
    %c0_i32 = arith.constant 0 : i32
    %c0_i32_0 = arith.constant 0 : i32
    return %arg0, %c0_i32 : i32, i32
  }
  func.func @transform_2(%arg0: i32) -> i32 {
    %c0_i32 = arith.constant 0 : i32
    return %arg0 : i32
  }
  func.func @transform_3(%arg0: i32) -> i32 {
    %c0_i32 = arith.constant 0 : i32
    return %arg0 : i32
  }
  func.func @transform_4(%arg0: i32) -> i32 {
    %c0_i32 = arith.constant 0 : i32
    return %arg0 : i32
  }
}

</mosaic_0001>

<sc_bundles>
// kernel: kernel.5.cloned.1.call-start
scs
__scs_entry_jumppad:
0x0: {  	(pc) =	sbr.rel $0x88, $3  }
0x1: {  	(tag) =	ssettag $0x0;
	lr =	simm.s32 $0x1  }
0x2: {  	[smem:$0x3F9B] =	sst lr;
	_ =	strace $0xD0000000  }
0x3: {  	_ = 	snop  }
0x4: {  	_ = 	snop  }
0x5: {  	_ = 	snop  }
0x6: {  	_ = 	snop  }
0x7: {  	_ = 	snop  }
__scs_overlays_trampoline_lowered:
0x8: {  	[smem:$0x3FAA] =	sst s0  }
0x9: {  	[smem:$0x3FAB] =	sst s1  }
0xa: {  	[smem:$0x3FAC] =	sst s2  }
0xb: {  	[smem:$0x3FAD] =	sst s3  }
0xc: {  	[smem:$0x3FAE] =	sst s4  }
0xd: {  	[smem:$0x3FAF] =	sst s5  }
0xe: {  	[smem:$0x3FB0] =	sst s6  }
0xf: {  	[smem:$0x3FB1] =	sst s7  }
0x10: {  	[smem:$0x3FB2] =	sst s8  }
0x11: {  	[smem:$0x3FB3] =	sst s9;
	s0 =	simm.s32 @!p0 $0x0  }
0x12: {  	s1 =	sld [smem:$0x3F99];
	s0 =	simm.s32 @p0 $0x1  }
0x13: {  	[smem:$0x3FB4] =	sst s0;
	s0 =	simm.s32 @!p1 $0x0  }
0x14: {  	s2 =	sld [smem:$0x3F98];
	s0 =	simm.s32 @p1 $0x1  }
0x15: {  	[smem:$0x3FB5] =	sst s0;
	s0 =	simm.s32 @!p2 $0x0  }
0x16: {  	s3 =	sld [smem:$0x3FDB];
	s0 =	simm.s32 @p2 $0x1  }
0x17: {  	s4 =	simm.s32 $0x1BF5;
	[smem:$0x3FB7] =	sst s0  }
0x18: {  	s0 =	sld [smem:$0x3F9A];
	_ =	swait.ge [sflag:s4], $0x0  }
0x19: {  	s7 =	sld [smem:$0x3F9B]  }
0x1a: {  	s8 =	sadd.s32 $0xFFFFE003, lr  }
0x1b: {  	s9 =	sadd.s32 $0xFFFFFEF7, lr;
	s5 =	simm.s32 $0xFFFFFFFF;
	p2 =	slt.u32 s8, $0xFFFFF086  }
0x1c: {  	p1 =	slt.u32 s9, $0xF7A;
	s5 =	simm.s32 @!p2 $0x0  }
0x1d: {  	s5 =	simm.s32 @p1 $0x1;
	p0 =	seq.s32 s7, s2  }
0x1e: {  	s7 =	smul.u32 @!p0 $0xF7A, s2;
	p2 =	seq.s32 @!p0 s5, $0x0  }
0x1f: {  	s9 =	smul.u32 $0xF7A, s1;
	s8 =	simm.s32 @!p0 $0x1BF5;
	p2 =	por !p2, p0  }
0x20: {  	[sflag:s8] =	ssyncset.s32 @!p0 $0xFFFFF086;
	s6 =	sadd.s32 @!p0 s3, s7;
	s7 =	simm.s32 @!p0 $0x108  }
0x21: {  	s3 =	sadd.s32 s3, s9;
	s6 =	sadd.s32 @!p0 $0x88, s6;
	s7 =	simm.s32 @p2 $0x1082  }
0x22: {  	[simem:s7], [sflag:s8] =	dma.local @!p0 [hbm:s6], $0xF7A  }
0x23: {  	s9 =	sor.u32 $0xD0000000, s2;
	s6 =	simm.s32 $0x108;
	_ =	swait.ge @!p0 [sflag:s8], $0x0  }
0x24: {  	s3 =	sadd.s32 $0x88, s3;
	s6 =	simm.s32 @!p1 $0x1082;
	[sflag:s4] =	ssyncset.s32 $0xFFFFF086  }
0x25: {  	[simem:s6], [sflag:s4] =	dma.local [hbm:s3], $0xF7A  }
0x26: {  	[smem:$0x3F9B] =	sst s1;
	(tag) =	ssettag s2;
	_ =	strace s9  }
0x27: {  	s1 =	sld [smem:$0x3FAB]  }
0x28: {  	s2 =	sld [smem:$0x3FAC]  }
0x29: {  	s4 =	sld [smem:$0x3FAE]  }
0x2a: {  	p0 =	seq.s32 s5, $0x0;
	s5 =	sld [smem:$0x3FAF]  }
0x2b: {  	s6 =	sld [smem:$0x3FB0]  }
0x2c: {  	s7 =	sld [smem:$0x3FB1]  }
0x2d: {  	s3 =	simm.s32 $0x108;
	s8 =	sld [smem:$0x3FB2]  }
0x2e: {  	s3 =	simm.s32 @!p0 $0x1082;
	s9 =	sld [smem:$0x3FB3]  }
0x2f: {  	lr =	sadd.s32 s0, s3;
	s0 =	sld [smem:$0x3FAA]  }
0x30: {  	s3 =	sld [smem:$0x3FAD]  }
0x31: {  	[smem:$0x3FB6] =	sst s10  }
0x32: {  	s10 =	sld [smem:$0x3FB4];
	_ =	sdelay $0x3  }
0x33: {  	p0 =	seq.s32 s10, $0x1;
	s10 =	sld [smem:$0x3FB6];
	_ =	sdelay $0x3  }
0x34: {  	[smem:$0x3FB6] =	sst s10  }
0x35: {  	s10 =	sld [smem:$0x3FB5];
	_ =	sdelay $0x3  }
0x36: {  	p1 =	seq.s32 s10, $0x1;
	s10 =	sld [smem:$0x3FB6];
	_ =	sdelay $0x3  }
0x37: {  	[smem:$0x3FB6] =	sst s10  }
0x38: {  	s10 =	sld [smem:$0x3FB7]  }
0x39: {  	_ = 	snop;
	(pc) =	sbr.ind lr, $3  }
0x3a: {  	_ = 	snop  }
0x3b: {  	_ = 	snop  }
0x3c: {  	p2 =	seq.s32 s10, $0x1;
	s10 =	sld [smem:$0x3FB6]  }
0x3d: {  	_ =	shalt  }
0x3e: {  	_ =	shalt  }
0x3f: {  	_ =	shalt  }
0x40: {  	_ =	shalt  }
0x41: {  	_ =	shalt  }
0x42: {  	_ =	shalt  }
0x43: {  	_ =	shalt  }
0x44: {  	_ =	shalt  }
0x45: {  	_ =	shalt  }
0x46: {  	_ =	shalt  }
0x47: {  	_ =	shalt  }
0x48: {  	_ =	shalt  }
0x49: {  	_ =	shalt  }
0x4a: {  	_ =	shalt  }
0x4b: {  	_ =	shalt  }
0x4c: {  	_ =	shalt  }
0x4d: {  	_ =	shalt  }
0x4e: {  	_ =	shalt  }
0x4f: {  	_ =	shalt  }
0x50: {  	_ =	shalt  }
0x51: {  	_ =	shalt  }
0x52: {  	_ =	shalt  }
0x53: {  	_ =	shalt  }
0x54: {  	_ =	shalt  }
0x55: {  	_ =	shalt  }
0x56: {  	_ =	shalt  }
0x57: {  	_ =	shalt  }
0x58: {  	_ =	shalt  }
0x59: {  	_ =	shalt  }
0x5a: {  	_ =	shalt  }
0x5b: {  	_ =	shalt  }
0x5c: {  	_ =	shalt  }
0x5d: {  	_ =	shalt  }
0x5e: {  	_ =	shalt  }
0x5f: {  	_ =	shalt  }
0x60: {  	_ =	shalt  }
0x61: {  	_ =	shalt  }
0x62: {  	_ =	shalt  }
0x63: {  	_ =	shalt  }
0x64: {  	_ =	shalt  }
0x65: {  	_ =	shalt  }
0x66: {  	_ =	shalt  }
0x67: {  	_ =	shalt  }
0x68: {  	_ =	shalt  }
0x69: {  	_ =	shalt  }
0x6a: {  	_ =	shalt  }
0x6b: {  	_ =	shalt  }
0x6c: {  	_ =	shalt  }
0x6d: {  	_ =	shalt  }
0x6e: {  	_ =	shalt  }
0x6f: {  	_ =	shalt  }
0x70: {  	_ =	shalt  }
0x71: {  	_ =	shalt  }
0x72: {  	_ =	shalt  }
0x73: {  	_ =	shalt  }
0x74: {  	_ =	shalt  }
0x75: {  	_ =	shalt  }
0x76: {  	_ =	shalt  }
0x77: {  	_ =	shalt  }
0x78: {  	_ =	shalt  }
0x79: {  	_ =	shalt  }
0x7a: {  	_ =	shalt  }
0x7b: {  	_ =	shalt  }
0x7c: {  	_ =	shalt  }
0x7d: {  	_ =	shalt  }
0x7e: {  	_ =	shalt  }
0x7f: {  	_ =	shalt  }
0x80: {  	_ =	shalt  }
0x81: {  	_ =	shalt  }
0x82: {  	_ =	shalt  }
0x83: {  	_ =	shalt  }
0x84: {  	_ =	shalt  }
0x85: {  	_ =	shalt  }
0x86: {  	_ =	shalt  }
0x87: {  	_ =	shalt  }
.Lfunc_end0:
.L_simem_size_0:
called_computation_lowered:
.L_overlay_start_0:
0x88: {  	s2 =	sld [smem:$0x3FD9]  }
0x89: {  	s3 =	sld [smem:$0x3FFE];
	_ =	sdelay $0x1  }
0x8a: {  	s1 =	srdreg.scid  }
0x8b: {  	s0 =	sand.u32 $0x1, s1  }
0x8c: {  	s16 =	sshll.u32 s0, $0xA;
	s2 =	sadd.s32 s3, s2  }
0x8d: {  	s2 =	sadd.s32 s2, s16  }
0x8e: {  	[smem:$0x3FC2] =	sst s2  }
0x8f: {  	_ = 	snop  }
0x90: {  	(tm) =	ssettm $0x1  }
0x91: {  	s17 =	sld [smem:$0x3FFB];
	_ =	sdelay $0x3  }
0x92: {  	_ =	strace s17  }
0x93: {  	s2 =	sld [smem:$0x3FFC];
	_ =	sdelay $0x3  }
0x94: {  	_ =	strace s2  }
0x95: {  	s2 =	sld [smem:$0x3FFD];
	_ =	sdelay $0x3  }
0x96: {  	_ =	strace s2  }
0x97: {  	_ =	strace $0x8FFFFFFF  }
0x98: {  	s18 =	sld [smem:$0x3FDB];
	_ =	sdelay $0x1  }
0x99: {  	s19 =	simm.s32 $_scs_section_size  }
0x9a: {  	s4 =	simm.s32 $_size__tile_overlayer_lowered;
	s5 =	simm.s32 $_tile_overlayer_lowered  }
0x9b: {  	s22 =	simm.s32 $0x1BFF;
	s21 =	sshll.u32 s5, $0x1;
	s2 =	sadd.s32 s19, s18  }
0x9c: {  	s6 =	simm.s32 $0x0;
	s20 =	sshll.u32 s4, $0x1;
	s4 =	sadd.s32 s21, s2  }
0x9d: {  	[timem:s6], [sflag:s22] =	dma.local [hbm:s4], s20  }
0x9e: {  	_ =	swait.ge [sflag:s22], s20  }
0x9f: {  	s3 =	ssub.s32 $0x0, s20;
	[sflag:s22] =	ssyncset.done $0x0  }
0xa0: {  	[sflag:s22] =	ssyncadd.s32 s3;
	_ =	sdelay $0x1  }
0xa1: {  	s23 =	simm.s32 $0x1B8B  }
0xa2: {  	_ =	swait.ge [sflag:s23], $0x1  }
0xa3: {  	[sflag:s23] =	ssyncset.done $0x0  }
0xa4: {  	s25 =	simm.s32 $0x1B8E;
	s24 =	sld [smem:$0x3FFE];
	[sflag:s23] =	ssyncadd.s32 $0xFFFFFFFF  }
0xa5: {  	s26 =	simm.s32 $execute0_lowered;
	[smem:$0x3FD2] =	sst s25  }
0xa6: {  	s4 =	sshll.u32 s26, $0x1;
	_ =	strace $0x80000046;
	[dreg:$0x1] =	wrdreg $0xFFFFFFFF  }
0xa7: {  	s28 =	simm.s32 $_size_execute0_lowered;
	s2 =	sadd.s32 s2, s4;
	[dreg:$0x0] =	wrdreg $0x0  }
0xa8: {  	s4 =	sshll.u32 s28, $0x1;
	[dreg:$0x2] =	wrdreg s2  }
0xa9: {  	[dreg:$0x3] =	wrdreg s4  }
0xaa: {  	[dreg:$0x4] =	wrdreg $0xC0  }
0xab: {  	_ =	task [dreg:s6], $0x5FFFF  }
0xac: {  	[dreg:$0x1] =	wrdreg $0xFFFFFFFF  }
0xad: {  	[dreg:$0x0] =	wrdreg $0x60  }
0xae: {  	[dreg:$0x2] =	wrdreg s24  }
0xaf: {  	[dreg:$0x3] =	wrdreg $0x9  }
0xb0: {  	_ =	task.clear_ibuf [dreg:s6], $0x4FFFF;
	_ =	strace $0x90000046  }
0xb1: {  	s29 =	simm.s32 $0x9;
	_ =	strace $0x80000048  }
0xb2: {  	_ =	swait.ge [sflag:s29], $0x1  }
0xb3: {  	[sflag:s29] =	ssyncadd.s32 $0xFFFFFFFF  }
0xb4: {  	_ =	strace $0x90000048  }
0xb5: {  	_ =	sfence  }
0xb6: {  	s30 =	sld [smem:$0x0];
	_ =	sdelay $0x2  }
0xb7: {  	s31 =	sshll.u32 s1, $0xD;
	s1 =	sshrl.u32 s1, $0x2  }
0xb8: {  	s3 =	sand.u32 $0x4000, s31;
	s1 =	sadd.s32 s1, s30  }
0xb9: {  	s0 =	sor.u32 s3, s0;
	s1 =	sshll.u32 s1, $0x11  }
0xba: {  	s0 =	sor.u32 s1, s0  }
0xbb: {  	s0 =	sadd.s32 $0x8F2B, s0  }
0xbc: {  	[sflag:s0] =	ssyncadd.remote.s32 $0x1  }
0xbd: {  	_ =	sfence.sel $0xFFFF  }
0xbe: {  	[dreg:$0x0] =	wrdreg $0xFFFFFFFF;
	(pc) =	sbr.abs _section_cstart, $3  }
0xbf: {  	[dreg:$0x1] =	wrdreg $0xFFFFFFFF  }
0xc0: {  	_ =	task.clear_ibuf [dreg:s6], $0x2FFFF;
	_ =	strace $0x9FFFFFFF  }
0xc1: {  	(tm) =	ssettm $0x7FFFFFFF  }
tec
execute0_lowered:
.L_overlay_start_1:
0x0: {  	(tag) =	ssettag $0x1  }
0x1: {  	s1 =	srdreg.scid  }
0x2: {  	s0 =	stileid.u32;
	s4 =	rddreg [dreg:$0x0]  }
0x3: {  	s2 =	simm.s32 $0x0;
	s3 =	sand.u32 $0x1, s1;
	s31 =	sshll.u32 s0, $0x1  }
0x4: {  	s8 =	simm.s32 $0x1900;
	s9 =	simm.s32 $0x0;
	s5 =	sor.u32 s3, s31  }
0x5: {  	s1 =	rddreg [dreg:$0x1];
	s3 =	ssub.s32 $0x2, s3;
	s6 =	smul.u32 $0x190, s5  }
0x6: {  	v0 =	vlaneseq.u32;
	[smem:$0x7FF] =	sst s2;
	s5 =	smul.u32 $0x380, s5;
	s7 =	sshrl.u32 s3, $0x1  }
0x7: {  	v0 =	vmul.u32 $0x2, v0;
	_ =	strace $0x80000047;
	s7 =	ssub.s32 s3, s7;
	s6 =	sadd.s32 s6, s4  }
0x8: {  	s5 =	sadd.s32 s5, s4;
	s3 =	sadd.s32 $0x1400, s6;
	s4 =	sadd.s32 $0x4600, s6  }
0x9: {  	v1 =	vor.u32 $0x1, v0;
	s5 =	sadd.s32 $0x7800, s5;
	s6 =	smax.u32 s7, $0x1;
	s7 =	simm.s32 $0x1  }
.LBB2_1:
0xa: {  	[tilespmem:s2], [sflag:$0x1] =	stream.linear.gather [hbm4b:s3+s2], $0xC80, $0x38;
	[tilespmem:$0x3500] =	vst v63  }
0xb: {  	_ =	swait.ge [sflag:s7], $0xC80  }
0xc: {  	[sflag:s7] =	ssyncset.done $0x0  }
0xd: {  	s10 =	simm.s32 $0xC80;
	[sflag:s7] =	ssyncadd.s32 $0xFFFFF380  }
0xe: {  	[tilespmem:s10], [sflag:$0x1] =	stream.linear.gather [hbm4b:s4+s2], $0xC80, $0x38;
	[tilespmem:$0x3500] =	vst v63  }
0xf: {  	s11 =	simm.s32 $0x0;
	_ =	swait.ge [sflag:s7], $0xC80  }
0x10: {  	s12 =	sand.u32 $0x60, s2;
	s11 =	sand.u32 $0xFFFFFF80, s11;
	[sflag:s7] =	ssyncset.done $0x0  }
0x11: {  	s12 =	sor.u32 s12, s11;
	[sflag:s7] =	ssyncadd.s32 $0xFFFFF380  }
0x12: {  	v5 =	vor.u32 s12, v0;
	v4 =	vld [tilespmem:s2+$0x0]  }
0x13: {  	v3 =	vor.u32 s12, v1;
	v2 =	vld [tilespmem:s10+$0x0];
	_ =	sdelay $0x1  }
0x14: {  	s13 =	simm.s32 $0x20  }
0x15: {  	s15 =	sand.u32 $0xFFFFFF80, s13;
	s11 =	simm.s32 $0x20  }
0x16: {  	s13 =	simm.s32 $0x2;
	s14 =	sand.u32 $0x60, s11;
	s12 =	simm.s32 $0x0;
	[tilespmem:v5+s8+$0x0] =	vst.idx.msk $0xffff, v4  }
.LBB2_2:
0x17: {  	p0 =	sne.s32 s13, $0xC7;
	s14 =	sor.u32 s14, s15;
	[tilespmem:v3+s8+$0x0] =	vst.idx.msk $0xffff, v2;
	s12 =	sadd.s32 $0x10, s12  }
0x18: {  	s10 =	sadd.s32 $0x10, s10;
	v4 =	vld [tilespmem:s12+$0x0];
	v5 =	vor.u32 s14, v0  }
.Ltmp0:
0x19: {  	v3 =	vor.u32 s14, v1;
	v2 =	vld [tilespmem:s10+$0x0];
	(pc) =	sbr.rel @p0 .LBB2_2-.Ltmp0, $3  }
0x1a: {  	_ =	sdelay $0x1  }
0x1b: {  	s15 =	sshll.u32 s13, $0x5;
	s11 =	sadd.s32 $0x20, s11  }
0x1c: {  	s13 =	sadd.s32 $0x1, s13;
	s14 =	sand.u32 $0x60, s11;
	s15 =	sand.u32 $0xFFFFFF80, s15;
	[tilespmem:v5+s8+$0x0] =	vst.idx.msk $0xffff, v4  }
0x1d: {  	_ =	sdelay $0x3  }
0x1e: {  	s11 =	sor.u32 s14, s15;
	[tilespmem:v3+s8+$0x0] =	vst.idx.msk $0xffff, v2;
	s12 =	sadd.s32 $0x10, s12  }
0x1f: {  	s10 =	sadd.s32 $0x10, s10;
	v2 =	vld [tilespmem:s12+$0x0];
	v3 =	vor.u32 s11, v0  }
0x20: {  	v4 =	vld [tilespmem:s10+$0x0];
	v5 =	vor.u32 s11, v1;
	_ =	sdelay $0x2  }
0x21: {  	s9 =	sadd.s32 $0x1, s9  }
0x22: {  	p0 =	sne.s32 s9, s6;
	[tilespmem:v3+s8+$0x0] =	vst.idx.msk $0xffff, v2  }
.Ltmp1:
0x23: {  	[tilespmem:v5+s8+$0x0] =	vst.idx.msk $0xffff, v4;
	(pc) =	sbr.rel @p0 .LBB2_1-.Ltmp1, $4  }
0x24: {  	[hbm4b:s5+s2] =	stream.linear.scatter [tilespmem:s8], [sflag:$0x1], $0x1C00, $0x38;
	[tilespmem:$0x3500] =	vst v63  }
0x25: {  	_ =	swait.ge [sflag:s7], $0x1C00  }
0x26: {  	[sflag:s7] =	ssyncset.done $0x0  }
0x27: {  	[sflag:s7] =	ssyncadd.s32 $0xFFFFE400  }
0x28: {  	_ =	sfence.sel $0x180000  }
0x29: {  	[bflag:$0x0] =	sbarrier.arrive $0xFFFF  }
0x2a: {  	p0 =	sne.s32 s0, $0x0;
	_ =	strace $0x90000047  }
0x2b: {  	s0 =	sadd.s32 @!p0 $0x100000, s1;
	[bflag:$0x2] =	sbarrier.arrive $0xFFFF  }
0x2c: {  	[sflag:s0] =	ssyncadd.tile.s32 @!p0 $0x1;
	_ =	shalt  }
.Lfunc_end2:
_tile_overlayer_lowered:
.L_overlay_start_2:
0x2d: {  	(tag) =	ssettag $0x2  }
0x2e: {  	s0 =	rddreg [dreg:$0x0];
	s2 =	stileid.u32  }
0x2f: {  	s1 =	rddreg [dreg:$0x1];
	p0 =	sne.s32 s2, $0x0  }
0x30: {  	s3 =	rddreg [dreg:$0x2];
	[bflag:$0x3] =	sbarrier.arrive $0xFFFF;
	s2 =	simm.s32 @!p0 $0x1C01  }
0x31: {  	[timem:s3], [sflag:s2] =	dma.local @!p0 [hbm:s0], s1  }
0x32: {  	s0 =	simm.s32 @!p0 $0x1  }
0x33: {  	_ =	swait.ge @!p0 [sflag:s0], s1  }
0x34: {  	s1 =	ssub.s32 @!p0 $0x0, s1;
	[sflag:s0] =	ssyncset.done @!p0 $0x0  }
0x35: {  	[sflag:s0] =	ssyncadd.s32 @!p0 s1  }
0x36: {  	[bflag:$0x3] =	sbarrier.arrive $0xFFFF  }
0x37: {  	_ =	shalt  }

// kernel: kernel.8.cloned.1.call-start
scs
__scs_entry_jumppad:
0x0: {  	(pc) =	sbr.rel $0x88, $3  }
0x1: {  	(tag) =	ssettag $0x0;
	lr =	simm.s32 $0x1  }
0x2: {  	[smem:$0x3F9B] =	sst lr;
	_ =	strace $0xD0000000  }
0x3: {  	_ = 	snop  }
0x4: {  	_ = 	snop  }
0x5: {  	_ = 	snop  }
0x6: {  	_ = 	snop  }
0x7: {  	_ = 	snop  }
__scs_overlays_trampoline_lowered:
0x8: {  	[smem:$0x3FAA] =	sst s0  }
0x9: {  	[smem:$0x3FAB] =	sst s1  }
0xa: {  	[smem:$0x3FAC] =	sst s2  }
0xb: {  	[smem:$0x3FAD] =	sst s3  }
0xc: {  	[smem:$0x3FAE] =	sst s4  }
0xd: {  	[smem:$0x3FAF] =	sst s5  }
0xe: {  	[smem:$0x3FB0] =	sst s6  }
0xf: {  	[smem:$0x3FB1] =	sst s7  }
0x10: {  	[smem:$0x3FB2] =	sst s8  }
0x11: {  	[smem:$0x3FB3] =	sst s9;
	s0 =	simm.s32 @!p0 $0x0  }
0x12: {  	s1 =	sld [smem:$0x3F99];
	s0 =	simm.s32 @p0 $0x1  }
0x13: {  	[smem:$0x3FB4] =	sst s0;
	s0 =	simm.s32 @!p1 $0x0  }
0x14: {  	s2 =	sld [smem:$0x3F98];
	s0 =	simm.s32 @p1 $0x1  }
0x15: {  	[smem:$0x3FB5] =	sst s0;
	s0 =	simm.s32 @!p2 $0x0  }
0x16: {  	s3 =	sld [smem:$0x3FDB];
	s0 =	simm.s32 @p2 $0x1  }
0x17: {  	s4 =	simm.s32 $0x1BF5;
	[smem:$0x3FB7] =	sst s0  }
0x18: {  	s0 =	sld [smem:$0x3F9A];
	_ =	swait.ge [sflag:s4], $0x0  }
0x19: {  	s7 =	sld [smem:$0x3F9B]  }
0x1a: {  	s8 =	sadd.s32 $0xFFFFE003, lr  }
0x1b: {  	s9 =	sadd.s32 $0xFFFFFEF7, lr;
	s5 =	simm.s32 $0xFFFFFFFF;
	p2 =	slt.u32 s8, $0xFFFFF086  }
0x1c: {  	p1 =	slt.u32 s9, $0xF7A;
	s5 =	simm.s32 @!p2 $0x0  }
0x1d: {  	s5 =	simm.s32 @p1 $0x1;
	p0 =	seq.s32 s7, s2  }
0x1e: {  	s7 =	smul.u32 @!p0 $0xF7A, s2;
	p2 =	seq.s32 @!p0 s5, $0x0  }
0x1f: {  	s9 =	smul.u32 $0xF7A, s1;
	s8 =	simm.s32 @!p0 $0x1BF5;
	p2 =	por !p2, p0  }
0x20: {  	[sflag:s8] =	ssyncset.s32 @!p0 $0xFFFFF086;
	s6 =	sadd.s32 @!p0 s3, s7;
	s7 =	simm.s32 @!p0 $0x108  }
0x21: {  	s3 =	sadd.s32 s3, s9;
	s6 =	sadd.s32 @!p0 $0x88, s6;
	s7 =	simm.s32 @p2 $0x1082  }
0x22: {  	[simem:s7], [sflag:s8] =	dma.local @!p0 [hbm:s6], $0xF7A  }
0x23: {  	s9 =	sor.u32 $0xD0000000, s2;
	s6 =	simm.s32 $0x108;
	_ =	swait.ge @!p0 [sflag:s8], $0x0  }
0x24: {  	s3 =	sadd.s32 $0x88, s3;
	s6 =	simm.s32 @!p1 $0x1082;
	[sflag:s4] =	ssyncset.s32 $0xFFFFF086  }
0x25: {  	[simem:s6], [sflag:s4] =	dma.local [hbm:s3], $0xF7A  }
0x26: {  	[smem:$0x3F9B] =	sst s1;
	(tag) =	ssettag s2;
	_ =	strace s9  }
0x27: {  	s1 =	sld [smem:$0x3FAB]  }
0x28: {  	s2 =	sld [smem:$0x3FAC]  }
0x29: {  	s4 =	sld [smem:$0x3FAE]  }
0x2a: {  	p0 =	seq.s32 s5, $0x0;
	s5 =	sld [smem:$0x3FAF]  }
0x2b: {  	s6 =	sld [smem:$0x3FB0]  }
0x2c: {  	s7 =	sld [smem:$0x3FB1]  }
0x2d: {  	s3 =	simm.s32 $0x108;
	s8 =	sld [smem:$0x3FB2]  }
0x2e: {  	s3 =	simm.s32 @!p0 $0x1082;
	s9 =	sld [smem:$0x3FB3]  }
0x2f: {  	lr =	sadd.s32 s0, s3;
	s0 =	sld [smem:$0x3FAA]  }
0x30: {  	s3 =	sld [smem:$0x3FAD]  }
0x31: {  	[smem:$0x3FB6] =	sst s10  }
0x32: {  	s10 =	sld [smem:$0x3FB4];
	_ =	sdelay $0x3  }
0x33: {  	p0 =	seq.s32 s10, $0x1;
	s10 =	sld [smem:$0x3FB6];
	_ =	sdelay $0x3  }
0x34: {  	[smem:$0x3FB6] =	sst s10  }
0x35: {  	s10 =	sld [smem:$0x3FB5];
	_ =	sdelay $0x3  }
0x36: {  	p1 =	seq.s32 s10, $0x1;
	s10 =	sld [smem:$0x3FB6];
	_ =	sdelay $0x3  }
0x37: {  	[smem:$0x3FB6] =	sst s10  }
0x38: {  	s10 =	sld [smem:$0x3FB7]  }
0x39: {  	_ = 	snop;
	(pc) =	sbr.ind lr, $3  }
0x3a: {  	_ = 	snop  }
0x3b: {  	_ = 	snop  }
0x3c: {  	p2 =	seq.s32 s10, $0x1;
	s10 =	sld [smem:$0x3FB6]  }
0x3d: {  	_ =	shalt  }
0x3e: {  	_ =	shalt  }
0x3f: {  	_ =	shalt  }
0x40: {  	_ =	shalt  }
0x41: {  	_ =	shalt  }
0x42: {  	_ =	shalt  }
0x43: {  	_ =	shalt  }
0x44: {  	_ =	shalt  }
0x45: {  	_ =	shalt  }
0x46: {  	_ =	shalt  }
0x47: {  	_ =	shalt  }
0x48: {  	_ =	shalt  }
0x49: {  	_ =	shalt  }
0x4a: {  	_ =	shalt  }
0x4b: {  	_ =	shalt  }
0x4c: {  	_ =	shalt  }
0x4d: {  	_ =	shalt  }
0x4e: {  	_ =	shalt  }
0x4f: {  	_ =	shalt  }
0x50: {  	_ =	shalt  }
0x51: {  	_ =	shalt  }
0x52: {  	_ =	shalt  }
0x53: {  	_ =	shalt  }
0x54: {  	_ =	shalt  }
0x55: {  	_ =	shalt  }
0x56: {  	_ =	shalt  }
0x57: {  	_ =	shalt  }
0x58: {  	_ =	shalt  }
0x59: {  	_ =	shalt  }
0x5a: {  	_ =	shalt  }
0x5b: {  	_ =	shalt  }
0x5c: {  	_ =	shalt  }
0x5d: {  	_ =	shalt  }
0x5e: {  	_ =	shalt  }
0x5f: {  	_ =	shalt  }
0x60: {  	_ =	shalt  }
0x61: {  	_ =	shalt  }
0x62: {  	_ =	shalt  }
0x63: {  	_ =	shalt  }
0x64: {  	_ =	shalt  }
0x65: {  	_ =	shalt  }
0x66: {  	_ =	shalt  }
0x67: {  	_ =	shalt  }
0x68: {  	_ =	shalt  }
0x69: {  	_ =	shalt  }
0x6a: {  	_ =	shalt  }
0x6b: {  	_ =	shalt  }
0x6c: {  	_ =	shalt  }
0x6d: {  	_ =	shalt  }
0x6e: {  	_ =	shalt  }
0x6f: {  	_ =	shalt  }
0x70: {  	_ =	shalt  }
0x71: {  	_ =	shalt  }
0x72: {  	_ =	shalt  }
0x73: {  	_ =	shalt  }
0x74: {  	_ =	shalt  }
0x75: {  	_ =	shalt  }
0x76: {  	_ =	shalt  }
0x77: {  	_ =	shalt  }
0x78: {  	_ =	shalt  }
0x79: {  	_ =	shalt  }
0x7a: {  	_ =	shalt  }
0x7b: {  	_ =	shalt  }
0x7c: {  	_ =	shalt  }
0x7d: {  	_ =	shalt  }
0x7e: {  	_ =	shalt  }
0x7f: {  	_ =	shalt  }
0x80: {  	_ =	shalt  }
0x81: {  	_ =	shalt  }
0x82: {  	_ =	shalt  }
0x83: {  	_ =	shalt  }
0x84: {  	_ =	shalt  }
0x85: {  	_ =	shalt  }
0x86: {  	_ =	shalt  }
0x87: {  	_ =	shalt  }
.Lfunc_end0:
.L_simem_size_0:
called_computation.1_lowered:
.L_overlay_start_0:
0x88: {  	s2 =	sld [smem:$0x3FD9]  }
0x89: {  	s3 =	sld [smem:$0x3FFE];
	_ =	sdelay $0x1  }
0x8a: {  	s1 =	srdreg.scid  }
0x8b: {  	s0 =	sand.u32 $0x1, s1  }
0x8c: {  	s17 =	sshll.u32 s0, $0xA;
	s2 =	sadd.s32 s3, s2  }
0x8d: {  	s2 =	sadd.s32 s2, s17  }
0x8e: {  	[smem:$0x3FC2] =	sst s2  }
0x8f: {  	_ = 	snop  }
0x90: {  	s2 =	sld [smem:$0x3FC9]  }
0x91: {  	s18 =	sld [smem:$0x3FC6]  }
0x92: {  	s4 =	sld [smem:$0x3FD0];
	(tm) =	ssettm $0x1  }
0x93: {  	s5 =	sld [smem:$0x3FFB];
	_ =	sdelay $0x3  }
0x94: {  	_ =	strace s5  }
0x95: {  	s5 =	sld [smem:$0x3FFC];
	_ =	sdelay $0x3  }
0x96: {  	_ =	strace s5  }
0x97: {  	s5 =	sld [smem:$0x3FFD];
	_ =	sdelay $0x3  }
0x98: {  	_ =	strace s5  }
0x99: {  	_ =	strace $0x8FFFFFFF  }
0x9a: {  	s19 =	sld [smem:$0x3FDB];
	_ =	sdelay $0x1  }
0x9b: {  	s6 =	simm.s32 $_scs_section_size  }
0x9c: {  	s7 =	simm.s32 $_size__tile_overlayer_lowered;
	s8 =	simm.s32 $_tile_overlayer_lowered  }
0x9d: {  	s22 =	simm.s32 $0x1BFF;
	s21 =	sshll.u32 s8, $0x1;
	s5 =	sadd.s32 s6, s19  }
0x9e: {  	s9 =	simm.s32 $0x0;
	s20 =	sshll.u32 s7, $0x1;
	s7 =	sadd.s32 s21, s5  }
0x9f: {  	[timem:s9], [sflag:s22] =	dma.local [hbm:s7], s20  }
0xa0: {  	_ =	swait.ge [sflag:s22], s20  }
0xa1: {  	s6 =	ssub.s32 $0x0, s20;
	[sflag:s22] =	ssyncset.done $0x0  }
0xa2: {  	[sflag:s22] =	ssyncadd.s32 s6;
	_ =	sdelay $0x1  }
0xa3: {  	s23 =	simm.s32 $0x1B8B  }
0xa4: {  	_ =	swait.ge [sflag:s23], $0x1  }
0xa5: {  	[sflag:s23] =	ssyncset.done $0x0  }
0xa6: {  	s25 =	simm.s32 $0x1B8E;
	s24 =	sld [smem:$0x3FFE];
	[sflag:s23] =	ssyncadd.s32 $0xFFFFFFFF  }
0xa7: {  	s26 =	simm.s32 $execute0_lowered;
	[smem:$0x3FD2] =	sst s25  }
0xa8: {  	s7 =	sshll.u32 s26, $0x1;
	_ =	strace $0x80000049;
	[dreg:$0x1] =	wrdreg $0xFFFFFFFF  }
0xa9: {  	s28 =	simm.s32 $_size_execute0_lowered;
	s5 =	sadd.s32 s5, s7;
	[dreg:$0x0] =	wrdreg $0x0  }
0xaa: {  	s7 =	sshll.u32 s28, $0x1;
	[dreg:$0x2] =	wrdreg s5  }
0xab: {  	[dreg:$0x3] =	wrdreg s7  }
0xac: {  	[dreg:$0x4] =	wrdreg $0xC0  }
0xad: {  	_ =	task [dreg:s9], $0x5FFFF  }
0xae: {  	[dreg:$0x1] =	wrdreg $0xFFFFFFFF  }
0xaf: {  	[dreg:$0x0] =	wrdreg $0x60  }
0xb0: {  	[dreg:$0x2] =	wrdreg s2  }
0xb1: {  	[dreg:$0x3] =	wrdreg s24  }
0xb2: {  	[dreg:$0x4] =	wrdreg s4  }
0xb3: {  	[dreg:$0x5] =	wrdreg s18  }
0xb4: {  	[dreg:$0x6] =	wrdreg $0x9  }
0xb5: {  	_ =	task.clear_ibuf [dreg:s9], $0x7FFFF;
	_ =	strace $0x90000049  }
0xb6: {  	s29 =	simm.s32 $0x9;
	_ =	strace $0x8000004B  }
0xb7: {  	_ =	swait.ge [sflag:s29], $0x1  }
0xb8: {  	[sflag:s29] =	ssyncadd.s32 $0xFFFFFFFF  }
0xb9: {  	_ =	strace $0x9000004B  }
0xba: {  	_ =	sfence  }
0xbb: {  	s30 =	sld [smem:$0x0];
	_ =	sdelay $0x2  }
0xbc: {  	s31 =	sshll.u32 s1, $0xD;
	s1 =	sshrl.u32 s1, $0x2  }
0xbd: {  	s3 =	sand.u32 $0x4000, s31;
	s1 =	sadd.s32 s1, s30  }
0xbe: {  	s0 =	sor.u32 s3, s0;
	s1 =	sshll.u32 s1, $0x11  }
0xbf: {  	s0 =	sor.u32 s1, s0  }
0xc0: {  	s0 =	sadd.s32 $0x8F2B, s0  }
0xc1: {  	[sflag:s0] =	ssyncadd.remote.s32 $0x1  }
0xc2: {  	_ =	sfence.sel $0xFFFF  }
0xc3: {  	[dreg:$0x0] =	wrdreg $0xFFFFFFFF;
	(pc) =	sbr.abs _section_cstart, $3  }
0xc4: {  	[dreg:$0x1] =	wrdreg $0xFFFFFFFF  }
0xc5: {  	_ =	task.clear_ibuf [dreg:s9], $0x2FFFF;
	_ =	strace $0x9FFFFFFF  }
0xc6: {  	(tm) =	ssettm $0x7FFFFFFF  }
0xc7: {  	_ =	shalt  }
tec
execute0_lowered:
.L_overlay_start_1:
0x0: {  	(tag) =	ssettag $0x1  }
0x1: {  	s5 =	rddreg [dreg:$0x0]  }
0x2: {  	s6 =	rddreg [dreg:$0x1]  }
0x3: {  	s7 =	rddreg [dreg:$0x2]  }
0x4: {  	s1 =	rddreg [dreg:$0x3]  }
0x5: {  	s0 =	rddreg [dreg:$0x4];
	s3 =	simm.s32 $0x0;
	s4 =	srdreg.scid  }
0x6: {  	s2 =	stileid.u32;
	s13 =	simm.s32 $0x10200;
	s14 =	simm.s32 $0x200  }
0x7: {  	s15 =	simm.s32 $0x100;
	s16 =	simm.s32 $0x10600;
	s17 =	simm.s32 $0x2  }
0x8: {  	s18 =	simm.s32 $0x10300;
	s19 =	simm.s32 $0x18600;
	s20 =	simm.s32 $0x18800  }
0x9: {  	s21 =	simm.s32 $0x1;
	s22 =	simm.s32 $0x0;
	s8 =	sand.u32 $0x1, s4  }
0xa: {  	[smem:$0x7FF] =	sst s3;
	s9 =	sshll.u32 s2, $0xA;
	s10 =	sshll.u32 s8, $0x9  }
0xb: {  	s4 =	sadd.s32 $0x7800, s6;
	s8 =	ssub.s32 $0x2, s8;
	s9 =	sor.u32 s10, s9  }
0xc: {  	_ =	strace $0x8000004A;
	s11 =	sshrl.u32 s8, $0x1;
	s10 =	sshll.u32 s9, $0x4  }
0xd: {  	s9 =	sshrl.u32 s9, $0x3;
	s11 =	ssub.s32 s8, s11;
	s10 =	sadd.s32 s10, s6  }
0xe: {  	s12 =	sadd.s32 s9, s6;
	s5 =	sadd.s32 s5, s9;
	s7 =	sadd.s32 s7, s9  }
0xf: {  	v0 =	vlaneseq.u32;
	s11 =	smax.u32 s11, $0x1;
	s6 =	sadd.s32 $0xE800, s12;
	s8 =	sadd.s32 $0x1400, s12  }
0x10: {  	v0 =	vmul.u32 $0x80, v0;
	s9 =	sadd.s32 $0x1C00, s12;
	s10 =	sadd.s32 $0xF000, s10;
	s12 =	simm.s32 $0x3  }
.LBB2_1:
0x11: {  	[tilespmem:s3], [sflag:$0x3] =	stream.linear.gather [hbm4b:s5+s3], $0x200, $0x38;
	[tilespmem:$0x18A00] =	vst v63  }
0x12: {  	_ =	swait.ge [sflag:s12], $0x200  }
0x13: {  	[sflag:s12] =	ssyncset.done $0x0  }
0x14: {  	[sflag:s12] =	ssyncadd.s32 $0xFFFFFE00  }
0x15: {  	[tilespmem:s13], [sflag:$0x3] =	stream.linear.gather [hbm4b:s6+s3], $0x200, $0x38;
	[tilespmem:$0x18A00] =	vst v63  }
0x16: {  	_ =	swait.ge [sflag:s12], $0x200  }
0x17: {  	[sflag:s12] =	ssyncset.done $0x0  }
0x18: {  	s23 =	simm.s32 $0x10400;
	[sflag:s12] =	ssyncadd.s32 $0xFFFFFE00  }
0x19: {  	[tilespmem:s23], [sflag:$0x3] =	stream.linear.gather [hbm4b:s7+s3], $0x200, $0x38;
	[tilespmem:$0x18A00] =	vst v63  }
0x1a: {  	_ =	swait.ge [sflag:s12], $0x200  }
0x1b: {  	[sflag:s12] =	ssyncset.done $0x0  }
0x1c: {  	[sflag:s12] =	ssyncadd.s32 $0xFFFFFE00  }
0x1d: {  	[tilespmem:s14], [sflag:$0x1] =	stream.indirect.gather [hbm4b:s1+s14], $0x80, s3, s14, $0xb8;
	[tilespmem:$0x18A00] =	vst v63  }
0x1e: {  	_ = 	snop  }
0x1f: {  	[tilespmem:s16], [sflag:$0x2] =	stream.indirect.gather [hbm4b:s4+s15], $0x80, s13, s15, $0xb8;
	[tilespmem:$0x18A00] =	vst v63  }
0x20: {  	_ =	swait.ge [sflag:s17], $0x8000  }
0x21: {  	[sflag:s17] =	ssyncset.done $0x0  }
0x22: {  	[sflag:s17] =	ssyncadd.s32 $0xFFFF8000  }
0x23: {  	v1 =	vld [tilespmem:s23+$0x0];
	_ =	sdelay $0x2  }
0x24: {  	v2 =	vmov s3  }
0x25: {  	v2 =	vshll.u32 v2, $0x7  }
0x26: {  	v2 =	vor.u32 v0, v2;
	v3 =	vand.u32 $0xFFFFFF80, v1  }
0x27: {  	v4 =	vand.u32 $0x7F, v1;
	v3 =	vadd.s32 v2, v3  }
0x28: {  	v3 =	vor.u32 v4, v3;
	_ =	sdelay $0x2  }
0x29: {  	v1 =	vadd.s32 $0x1, v1  }
0x2a: {  	v63 =	vand.u32 $0xFFFFFF80, v1  }
0x2b: {  	v1 =	vand.u32 $0x7F, v1;
	v2 =	vadd.s32 v2, v63;
	v3 =	vld.idx.msk [tilespmem:v3+s16+$0x0], $0xffff  }
0x2c: {  	v1 =	vor.u32 v1, v2;
	_ =	sdelay $0x3  }
0x2d: {  	[tilespmem:s19+$0x0] =	vst v3  }
0x2e: {  	v1 =	vld.idx.msk [tilespmem:v1+s16+$0x0], $0xffff;
	_ =	sdelay $0x4  }
0x2f: {  	s25 =	simm.s32 $0x10;
	s26 =	simm.s32 $0x10410;
	[tilespmem:s20+$0x0] =	vst v1  }
0x30: {  	s28 =	simm.s32 $0x20;
	s24 =	simm.s32 $0x18600;
	s23 =	simm.s32 $0x18800;
	v1 =	vld [tilespmem:s26+$0x0]  }
.LBB2_2:
0x31: {  	p0 =	sne.s32 s28, $0xF0;
	_ =	sdelay $0x1  }
0x32: {  	v2 =	vmov s25;
	s25 =	smov.u32 s28  }
0x33: {  	v2 =	vshll.u32 v2, $0x7  }
0x34: {  	v2 =	vor.u32 v0, v2;
	v3 =	vand.u32 $0xFFFFFF80, v1  }
0x35: {  	v4 =	vand.u32 $0x7F, v1;
	v3 =	vadd.s32 v2, v3  }
0x36: {  	v3 =	vor.u32 v4, v3;
	_ =	sdelay $0x3  }
0x37: {  	v1 =	vadd.s32 $0x1, v1  }
0x38: {  	v4 =	vand.u32 $0xFFFFFF80, v1;
	v3 =	vld.idx.msk [tilespmem:v3+s16+$0x0], $0xffff  }
0x39: {  	v1 =	vand.u32 $0x7F, v1;
	v2 =	vadd.s32 v2, v4  }
0x3a: {  	v1 =	vor.u32 v1, v2;
	_ =	sdelay $0x2  }
0x3b: {  	s24 =	sadd.s32 $0x10, s24  }
0x3c: {  	[tilespmem:s24+$0x0] =	vst v3  }
0x3d: {  	v1 =	vld.idx.msk [tilespmem:v1+s16+$0x0], $0xffff;
	_ =	sdelay $0x2  }
.Ltmp0:
0x3e: {  	(pc) =	sbr.rel @p0 .LBB2_2-.Ltmp0, $4  }
0x3f: {  	_ = 	snop  }
0x40: {  	s23 =	sadd.s32 $0x10, s23  }
0x41: {  	s26 =	sadd.s32 $0x10, s26;
	[tilespmem:s23+$0x0] =	vst v1  }
0x42: {  	s28 =	sadd.s32 $0x10, s28;
	v1 =	vld [tilespmem:s26+$0x0]  }
0x43: {  	_ =	sdelay $0x1  }
0x44: {  	v2 =	vmov s25  }
0x45: {  	v2 =	vshll.u32 v2, $0x7  }
0x46: {  	v2 =	vor.u32 v0, v2;
	v3 =	vand.u32 $0xFFFFFF80, v1  }
0x47: {  	v4 =	vand.u32 $0x7F, v1;
	v3 =	vadd.s32 v2, v3  }
0x48: {  	v3 =	vor.u32 v4, v3;
	_ =	sdelay $0x2  }
0x49: {  	v1 =	vadd.s32 $0x1, v1  }
0x4a: {  	v61 =	vand.u32 $0xFFFFFF80, v1  }
0x4b: {  	v1 =	vand.u32 $0x7F, v1;
	v2 =	vadd.s32 v2, v61;
	v3 =	vld.idx.msk [tilespmem:v3+s16+$0x0], $0xffff  }
0x4c: {  	v1 =	vor.u32 v1, v2;
	_ =	sdelay $0x2  }
0x4d: {  	s24 =	sadd.s32 $0x10, s24  }
0x4e: {  	[tilespmem:s24+$0x0] =	vst v3  }
0x4f: {  	v1 =	vld.idx.msk [tilespmem:v1+s16+$0x0], $0xffff;
	_ =	sdelay $0x3  }
0x50: {  	s23 =	sadd.s32 $0x10, s23  }
0x51: {  	[tilespmem:s23+$0x0] =	vst v1  }
0x52: {  	[tilespmem:s16], [sflag:$0x2] =	stream.indirect.gather [hbm4b:s4+s15], $0x80, s18, s15, $0xb8;
	[tilespmem:$0x18A00] =	vst v63  }
0x53: {  	_ =	swait.ge [sflag:s17], $0x8000  }
0x54: {  	[sflag:s17] =	ssyncset.done $0x0  }
0x55: {  	s30 =	simm.s32 $0x10500;
	[sflag:s17] =	ssyncadd.s32 $0xFFFF8000  }
0x56: {  	v1 =	vld [tilespmem:s30+$0x0];
	_ =	sdelay $0x1  }
0x57: {  	s31 =	simm.s32 $0x0  }
0x58: {  	v2 =	vmov s31  }
0x59: {  	v2 =	vshll.u32 v2, $0x7  }
0x5a: {  	v2 =	vor.u32 v0, v2;
	v3 =	vand.u32 $0xFFFFFF80, v1  }
0x5b: {  	v62 =	vand.u32 $0x7F, v1;
	v3 =	vadd.s32 v2, v3  }
0x5c: {  	v3 =	vor.u32 v62, v3;
	_ =	sdelay $0x2  }
0x5d: {  	v1 =	vadd.s32 $0x1, v1  }
0x5e: {  	v63 =	vand.u32 $0xFFFFFF80, v1  }
0x5f: {  	v1 =	vand.u32 $0x7F, v1;
	v2 =	vadd.s32 v2, v63;
	v3 =	vld.idx.msk [tilespmem:v3+s16+$0x0], $0xffff  }
0x60: {  	v1 =	vor.u32 v1, v2;
	_ =	sdelay $0x2  }
0x61: {  	s23 =	simm.s32 $0x18700  }
0x62: {  	[tilespmem:s23+$0x0] =	vst v3  }
0x63: {  	v1 =	vld.idx.msk [tilespmem:v1+s16+$0x0], $0xffff;
	_ =	sdelay $0x3  }
0x64: {  	s24 =	simm.s32 $0x18900  }
0x65: {  	s25 =	simm.s32 $0x10510;
	[tilespmem:s24+$0x0] =	vst v1  }
0x66: {  	s26 =	simm.s32 $0x10;
	s28 =	simm.s32 $0x20;
	v1 =	vld [tilespmem:s25+$0x0]  }
.LBB2_4:
0x67: {  	p0 =	sne.s32 s28, $0xF0;
	_ =	sdelay $0x1  }
0x68: {  	v2 =	vmov s26;
	s26 =	smov.u32 s28  }
0x69: {  	v2 =	vshll.u32 v2, $0x7  }
0x6a: {  	v2 =	vor.u32 v0, v2;
	v3 =	vand.u32 $0xFFFFFF80, v1  }
0x6b: {  	v4 =	vand.u32 $0x7F, v1;
	v3 =	vadd.s32 v2, v3  }
0x6c: {  	v3 =	vor.u32 v4, v3;
	_ =	sdelay $0x3  }
0x6d: {  	v1 =	vadd.s32 $0x1, v1  }
0x6e: {  	v4 =	vand.u32 $0xFFFFFF80, v1;
	v3 =	vld.idx.msk [tilespmem:v3+s16+$0x0], $0xffff  }
0x6f: {  	v1 =	vand.u32 $0x7F, v1;
	v2 =	vadd.s32 v2, v4  }
0x70: {  	v1 =	vor.u32 v1, v2;
	_ =	sdelay $0x2  }
0x71: {  	s23 =	sadd.s32 $0x10, s23  }
0x72: {  	[tilespmem:s23+$0x0] =	vst v3  }
0x73: {  	v1 =	vld.idx.msk [tilespmem:v1+s16+$0x0], $0xffff;
	_ =	sdelay $0x2  }
.Ltmp1:
0x74: {  	(pc) =	sbr.rel @p0 .LBB2_4-.Ltmp1, $4  }
0x75: {  	_ = 	snop  }
0x76: {  	s24 =	sadd.s32 $0x10, s24  }
0x77: {  	s25 =	sadd.s32 $0x10, s25;
	[tilespmem:s24+$0x0] =	vst v1  }
0x78: {  	s28 =	sadd.s32 $0x10, s28;
	v1 =	vld [tilespmem:s25+$0x0]  }
0x79: {  	_ =	sdelay $0x1  }
0x7a: {  	v2 =	vmov s26  }
0x7b: {  	v2 =	vshll.u32 v2, $0x7  }
0x7c: {  	v2 =	vor.u32 v0, v2;
	v3 =	vand.u32 $0xFFFFFF80, v1  }
0x7d: {  	v4 =	vand.u32 $0x7F, v1;
	v3 =	vadd.s32 v2, v3  }
0x7e: {  	v3 =	vor.u32 v4, v3;
	_ =	sdelay $0x2  }
0x7f: {  	v1 =	vadd.s32 $0x1, v1  }
0x80: {  	v63 =	vand.u32 $0xFFFFFF80, v1  }
0x81: {  	v1 =	vand.u32 $0x7F, v1;
	v2 =	vadd.s32 v2, v63;
	v3 =	vld.idx.msk [tilespmem:v3+s16+$0x0], $0xffff  }
0x82: {  	v1 =	vor.u32 v1, v2;
	_ =	sdelay $0x2  }
0x83: {  	s23 =	sadd.s32 $0x10, s23  }
0x84: {  	[tilespmem:s23+$0x0] =	vst v3  }
0x85: {  	v1 =	vld.idx.msk [tilespmem:v1+s16+$0x0], $0xffff;
	_ =	sdelay $0x3  }
0x86: {  	s31 =	sadd.s32 $0x10, s24  }
0x87: {  	[tilespmem:s31+$0x0] =	vst v1  }
0x88: {  	[hbm4b:s8+s3] =	stream.linear.scatter [tilespmem:s19], [sflag:$0x3], $0x200, $0x38;
	[tilespmem:$0x18A00] =	vst v63  }
0x89: {  	_ =	swait.ge [sflag:s12], $0x200  }
0x8a: {  	[sflag:s12] =	ssyncset.done $0x0  }
0x8b: {  	[sflag:s12] =	ssyncadd.s32 $0xFFFFFE00  }
0x8c: {  	[hbm4b:s9+s3] =	stream.linear.scatter [tilespmem:s20], [sflag:$0x3], $0x200, $0x38;
	[tilespmem:$0x18A00] =	vst v63  }
0x8d: {  	_ =	swait.ge [sflag:s12], $0x200  }
0x8e: {  	[sflag:s12] =	ssyncset.done $0x0  }
0x8f: {  	[sflag:s12] =	ssyncadd.s32 $0xFFFFFE00  }
0x90: {  	s22 =	sadd.s32 $0x1, s22;
	_ =	swait.ge [sflag:s21], $0x10000  }
0x91: {  	p0 =	sne.s32 s22, s11;
	[sflag:s21] =	ssyncset.done $0x0  }
.Ltmp2:
0x92: {  	[sflag:s21] =	ssyncadd.s32 $0xFFFF0000;
	(pc) =	sbr.rel @p0 .LBB2_1-.Ltmp2, $4  }
0x93: {  	[hbm4b:s10+s3] =	stream.linear.scatter [tilespmem:s14], [sflag:$0x3], $0x10000, $0x38;
	[tilespmem:$0x18A00] =	vst v63  }
0x94: {  	_ =	swait.ge [sflag:s12], $0x10000  }
0x95: {  	[sflag:s12] =	ssyncset.done $0x0  }
0x96: {  	[sflag:s12] =	ssyncadd.s32 $0xFFFF0000  }
0x97: {  	_ =	sfence.sel $0x180000  }
0x98: {  	[bflag:$0x0] =	sbarrier.arrive $0xFFFF  }
0x99: {  	p0 =	sne.s32 s2, $0x0;
	_ =	strace $0x9000004A  }
0x9a: {  	s0 =	sadd.s32 @!p0 $0x100000, s0;
	[bflag:$0x2] =	sbarrier.arrive $0xFFFF  }
0x9b: {  	[sflag:s0] =	ssyncadd.tile.s32 @!p0 $0x1;
	_ =	shalt  }
.Lfunc_end2:
_tile_overlayer_lowered:
.L_overlay_start_2:
0x9c: {  	(tag) =	ssettag $0x2  }
0x9d: {  	s0 =	rddreg [dreg:$0x0];
	s2 =	stileid.u32  }
0x9e: {  	s1 =	rddreg [dreg:$0x1];
	p0 =	sne.s32 s2, $0x0  }
0x9f: {  	s3 =	rddreg [dreg:$0x2];
	[bflag:$0x3] =	sbarrier.arrive $0xFFFF;
	s2 =	simm.s32 @!p0 $0x1C03  }
0xa0: {  	[timem:s3], [sflag:s2] =	dma.local @!p0 [hbm:s0], s1  }
0xa1: {  	s0 =	simm.s32 @!p0 $0x3  }
0xa2: {  	_ =	swait.ge @!p0 [sflag:s0], s1  }
0xa3: {  	s1 =	ssub.s32 @!p0 $0x0, s1;
	[sflag:s0] =	ssyncset.done @!p0 $0x0  }
0xa4: {  	[sflag:s0] =	ssyncadd.s32 @!p0 s1  }
0xa5: {  	[bflag:$0x3] =	sbarrier.arrive $0xFFFF  }
0xa6: {  	_ =	shalt  }

</sc_bundles>
